<compile_context>
chip_gen: v7x
topology: tpu7x:2x2x1
jax: 0.10.2.dev20260603
libtpu: 0.0.44.dev20260713+nightly
codegen_flags: <defaults>
</compile_context>

<pallas_src>
import jax
import jax.numpy as jnp
from jax import lax
from jax.experimental import pallas as pl
from jax.experimental.pallas import tpu as pltpu
from jax.experimental.pallas import tpu_sc as plsc

N = 10000
E = 320000
D = 128
DH = 64
NPAD = 10240
NS = 16
CHUNK = 80
EPT = E // NS
NCHUNKS = EPT // CHUNK
ZROWS = NPAD // NS
CW = 16


def _seg_sum_body(feat, src2, dst, zfeat, zcnt, ones,
                  out, cnt,
                  acc, cacc, idx_s, idx_d, rows, zv, zv16, ones_v, sem):
    c = lax.axis_index("c")
    s = lax.axis_index("s")

    pltpu.sync_copy(zfeat, zv)
    pltpu.sync_copy(zv, acc.at[pl.ds(s * ZROWS, ZROWS)])
    pltpu.sync_copy(zcnt, zv16)
    pltpu.sync_copy(zv16, cacc.at[pl.ds(s * ZROWS, ZROWS)])
    pltpu.sync_copy(ones, ones_v)
    plsc.subcore_barrier()

    base = s * EPT

    def step(k, _):
        eb = base + k * CHUNK
        pltpu.sync_copy(src2.at[pl.ds(c * E + eb, CHUNK)], idx_s)
        pltpu.sync_copy(dst.at[pl.ds(eb, CHUNK)], idx_d)
        pltpu.async_copy(feat.at[idx_s], rows, sem).wait()
        pltpu.sync_copy(rows, acc.at[idx_d], add=True)

        @pl.when(c == 0)
        def _():
            pltpu.sync_copy(ones_v, cacc.at[idx_d], add=True)

        return _

    lax.fori_loop(0, NCHUNKS, step, None)
    plsc.subcore_barrier()

    def _emit(nw):
        rb = s * ZROWS
        pltpu.sync_copy(acc.at[pl.ds(rb, nw)], zv.at[pl.ds(0, nw)])
        pltpu.sync_copy(zv.at[pl.ds(0, nw)], out.at[c, pl.ds(rb, nw)])

        @pl.when(c == 0)
        def _():
            pltpu.sync_copy(cacc.at[pl.ds(rb, nw)], zv16.at[pl.ds(0, nw)])
            pltpu.sync_copy(zv16.at[pl.ds(0, nw)], cnt.at[pl.ds(rb, nw)])

    @pl.when(s < NS - 1)
    def _():
        _emit(ZROWS)

    @pl.when(s == NS - 1)
    def _():
        _emit(N - (NS - 1) * ZROWS)


def _make_seg_sum():
    f32 = jnp.float32
    out_type = [jax.ShapeDtypeStruct((2, N, DH), f32),
                jax.ShapeDtypeStruct((N, CW), f32)]
    scratch = [
        pltpu.VMEM_SHARED((NPAD, DH), f32),
        pltpu.VMEM_SHARED((NPAD, CW), f32),
        pltpu.VMEM((CHUNK,), jnp.int32),
        pltpu.VMEM((CHUNK,), jnp.int32),
        pltpu.VMEM((CHUNK, DH), f32),
        pltpu.VMEM((ZROWS, DH), f32),
        pltpu.VMEM((ZROWS, CW), f32),
        pltpu.VMEM((CHUNK, CW), f32),
        pltpu.SemaphoreType.DMA,
    ]
    mesh = plsc.VectorSubcoreMesh(core_axis_name="c", subcore_axis_name="s")
    return pl.kernel(_seg_sum_body, out_type=out_type, mesh=mesh,
                     scratch_types=scratch,
                     compiler_params=pltpu.CompilerParams(
                         use_tc_tiling_on_sc=False))


_seg_sum = _make_seg_sum()

BN = 1000


def _l1_body(a, c, x, wl, b, wr, hlo, hhi):
    cnt = jnp.maximum(c[:, :1], 1.0)
    m0 = a[0] / cnt
    m1 = a[1] / cnt
    f32 = jnp.float32
    h = (jnp.dot(m0, wl[:DH, :], preferred_element_type=f32)
         + jnp.dot(m1, wl[DH:, :], preferred_element_type=f32)
         + jnp.dot(x[...], wr[...], preferred_element_type=f32)
         + b[...])
    h = jnp.where(h > 0, h, jnp.exp(h) - 1.0)
    hlo[0] = h[:, :DH]
    hlo[1] = h[:, DH:D]
    hhi[0] = h[:, D:D + DH]
    hhi[1] = h[:, D + DH:]


def _l23_body(alo, ahi, c, hlo, hhi,
              w2l, b2, w2r, w3l, b3, w3r, t_out, s_out):
    cnt = jnp.maximum(c[:, :1], 1.0)
    f32 = jnp.float32
    h = b2[...]
    for q, part in enumerate((alo[0] / cnt, alo[1] / cnt,
                              ahi[0] / cnt, ahi[1] / cnt)):
        h = h + jnp.dot(part, w2l[q * DH:(q + 1) * DH, :],
                        preferred_element_type=f32)
    for q, part in enumerate((hlo[0], hlo[1], hhi[0], hhi[1])):
        h = h + jnp.dot(part, w2r[q * DH:(q + 1) * DH, :],
                        preferred_element_type=f32)
    h = jnp.where(h > 0, h, jnp.exp(h) - 1.0)
    t = jnp.dot(h, w3l[...], preferred_element_type=f32)
    t_out[0] = t[:, :DH]
    t_out[1] = t[:, DH:]
    s_out[...] = jnp.dot(h, w3r[...], preferred_element_type=f32) + b3[...]


def _l3_body(t, c, s, out):
    cnt = jnp.maximum(c[:, :1], 1.0)
    z = jnp.concatenate([t[0], t[1]], axis=1) / cnt + s[...]
    z = jnp.where(z > 0, z, jnp.exp(z) - 1.0)
    m = jnp.max(z, axis=1, keepdims=True)
    lse = m + jnp.log(jnp.sum(jnp.exp(z - m), axis=1, keepdims=True))
    out[...] = z - lse


def _row_spec(cols):
    return pl.BlockSpec((BN, cols), lambda i: (i, 0))


def _stk_spec():
    return pl.BlockSpec((2, BN, DH), lambda i: (0, i, 0))


def _full_spec(shape):
    return pl.BlockSpec(shape, lambda i: tuple(0 for _ in shape))


def kernel(x, edge_index, W1l, b1, W1r, W2l, b2, W2r, W3l, b3, W3r):
    f32 = jnp.float32
    src = edge_index[0]
    dst = edge_index[1]
    src2 = jnp.concatenate([src, src + N])
    zfeat = jnp.zeros((ZROWS, DH), f32)
    zcnt = jnp.zeros((ZROWS, CW), f32)
    ones = jnp.ones((CHUNK, CW), f32)
    xs = jnp.stack([x[:, :DH], x[:, DH:]]).reshape(2 * N, DH)
    grid = (N // BN,)

    def run_l1(agg, cnt):
        return pl.pallas_call(
            _l1_body,
            grid=grid,
            in_specs=[_stk_spec(), _row_spec(CW),
                      _row_spec(D), _full_spec((D, 2 * D)),
                      _full_spec((1, 2 * D)), _full_spec((D, 2 * D))],
            out_specs=[_stk_spec(), _stk_spec()],
            out_shape=[jax.ShapeDtypeStruct((2, N, DH), f32),
                       jax.ShapeDtypeStruct((2, N, DH), f32)],
        )(agg, cnt, x, W1l, b1.reshape(1, -1), W1r)

    def run_l23(alo, ahi, cnt, hlo, hhi):
        return pl.pallas_call(
            _l23_body,
            grid=grid,
            in_specs=[_stk_spec(), _stk_spec(), _row_spec(CW),
                      _stk_spec(), _stk_spec(),
                      _full_spec((2 * D, 2 * D)), _full_spec((1, 2 * D)),
                      _full_spec((2 * D, 2 * D)), _full_spec((2 * D, D)),
                      _full_spec((1, D)), _full_spec((2 * D, D))],
            out_specs=[_stk_spec(), _row_spec(D)],
            out_shape=[jax.ShapeDtypeStruct((2, N, DH), f32),
                       jax.ShapeDtypeStruct((N, D), f32)],
        )(alo, ahi, cnt, hlo, hhi,
          W2l, b2.reshape(1, -1), W2r, W3l, b3.reshape(1, -1), W3r)

    def run_l3(tagg, cnt, sterm):
        return pl.pallas_call(
            _l3_body,
            grid=grid,
            in_specs=[_stk_spec(), _row_spec(CW), _row_spec(D)],
            out_specs=_row_spec(D),
            out_shape=jax.ShapeDtypeStruct((N, D), f32),
        )(tagg, cnt, sterm)

    def body(k, carry):
        feat, cnt, alo, hlo, hhi, sterm, result = carry
        agg, cnt_new = _seg_sum(feat, src2, dst, zfeat, zcnt, ones)

        def flat(a):
            return a.reshape(2 * N, DH)

        def b0(_):
            hlo_, hhi_ = run_l1(agg, cnt_new)
            return (flat(hlo_), cnt_new, alo, hlo_, hhi_, sterm, result)

        def b1(_):
            return (flat(hhi), cnt, agg, hlo, hhi, sterm, result)

        def b2(_):
            t, st = run_l23(alo, agg, cnt, hlo, hhi)
            return (flat(t), cnt, alo, hlo, hhi, st, result)

        def b3(_):
            res = run_l3(agg, cnt, sterm)
            return (feat, cnt, alo, hlo, hhi, sterm, res)

        return lax.switch(k, [b0, b1, b2, b3], None)

    zs = jnp.zeros((2, N, DH), f32)
    init = (xs, jnp.zeros((N, CW), f32), zs, zs, zs,
            jnp.zeros((N, D), f32), jnp.zeros((N, D), f32))
    final = lax.fori_loop(0, 4, body, init)
    return final[-1]

# --- scband reference (transcript-rebuilt; emitter-appended) ---
"""Pipeline reference for scband-graph-sage-41936060678752 (READ-ONLY COPY).

The authoritative reference and input builder live on the scoring server;
editing this copy changes nothing except your own understanding.
"""

import jax, jax.numpy as jnp
import numpy as np

N = 10000
E = 320000
D_IN = 128
D_H = 256
D_OUT = 128


def setup_inputs(seed: int = 0) -> dict:
    key = jax.random.key(seed)
    ks = jax.random.split(key, 12)
    x = jax.random.normal(ks[0], (N, D_IN), dtype=jnp.float32)
    edge_index = jax.random.randint(ks[1], (2, E), 0, N, dtype=jnp.int32)
    def lin(k, fi, fo):
        return jax.random.normal(k, (fi, fo), dtype=jnp.float32) * (1.0 / np.sqrt(fi))
    params = {
        'W1l': lin(ks[2], D_IN, D_H), 'b1': jnp.zeros((D_H,), jnp.float32), 'W1r': lin(ks[3], D_IN, D_H),
        'W2l': lin(ks[4], D_H, D_H), 'b2': jnp.zeros((D_H,), jnp.float32), 'W2r': lin(ks[5], D_H, D_H),
        'W3l': lin(ks[6], D_H, D_OUT), 'b3': jnp.zeros((D_OUT,), jnp.float32), 'W3r': lin(ks[7], D_H, D_OUT),
    }
    return {'x': x, 'edge_index': edge_index, **params}


def _sage_conv(x, edge_index, Wl, bl, Wr):
    # PyG SAGEConv (mean aggregation): out = lin_l(mean_{j in N(i)} x_j) + lin_r(x_i)
    src = edge_index[0]
    dst = edge_index[1]
    msg = jnp.take(x, src, axis=0)                       # gather source features
    summed = jax.ops.segment_sum(msg, dst, num_segments=N)
    cnt = jax.ops.segment_sum(jnp.ones((msg.shape[0], 1), x.dtype), dst, num_segments=N)
    mean = summed / jnp.clip(cnt, 1.0)
    return mean @ Wl + bl + x @ Wr


def reference(x, edge_index, W1l, b1, W1r, W2l, b2, W2r, W3l, b3, W3r):
    h = jax.nn.elu(_sage_conv(x, edge_index, W1l, b1, W1r))
    # dropout p=0.0 -> identity
    h = jax.nn.elu(_sage_conv(h, edge_index, W2l, b2, W2r))
    h = jax.nn.elu(_sage_conv(h, edge_index, W3l, b3, W3r))
    return jax.nn.log_softmax(h, axis=-1)

if __name__ == "__main__":
    import jax
    _d = setup_inputs()
    print(jax.jit(kernel)(*tuple(_d.values())))

</pallas_src>

<mosaic_0001>
#map = affine_map<(d0, d1) -> (0, 0)>
#map1 = affine_map<(d0, d1) -> (0)>
#map2 = affine_map<(d0, d1) -> (0, 0, 0)>
module attributes {stable_mosaic.version = 14 : i64} {
  func.func @_seg_sum_body(%arg0: i32, %arg1: i32, %arg2: memref<20000x64xf32, #tpu.memory_space<hbm>>, %arg3: memref<640000xi32, #tpu.memory_space<hbm>>, %arg4: memref<320000xi32, #tpu.memory_space<hbm>>, %arg5: memref<640x64xf32, #tpu.memory_space<hbm>>, %arg6: memref<640x16xf32, #tpu.memory_space<hbm>>, %arg7: memref<80x16xf32, #tpu.memory_space<hbm>>, %arg8: memref<2x10000x64xf32, #tpu.memory_space<hbm>>, %arg9: memref<10000x16xf32, #tpu.memory_space<hbm>>, %arg10: memref<10240x64xf32, #tpu.memory_space<vmem_shared>>, %arg11: memref<10240x16xf32, #tpu.memory_space<vmem_shared>>, %arg12: memref<80xi32, #tpu.memory_space<vmem>>, %arg13: memref<80xi32, #tpu.memory_space<vmem>>, %arg14: memref<80x64xf32, #tpu.memory_space<vmem>>, %arg15: memref<640x64xf32, #tpu.memory_space<vmem>>, %arg16: memref<640x16xf32, #tpu.memory_space<vmem>>, %arg17: memref<80x16xf32, #tpu.memory_space<vmem>>, %arg18: memref<!tpu.dma_semaphore, #tpu.memory_space<semaphore_mem>>) attributes {dimension_semantics = [#tpu.dimension_semantics<core_parallel>, #tpu.dimension_semantics<subcore_parallel>], iteration_bounds = array<i64: 2, 16>, scalar_prefetch = 0 : i64, scratch_operands = 9 : i64, tpu.core_type = #tpu.core_type<sc_vector_subcore>, window_params = [{transform_indices = #map}, {transform_indices = #map1}, {transform_indices = #map1}, {transform_indices = #map}, {transform_indices = #map}, {transform_indices = #map}, {transform_indices = #map2}, {transform_indices = #map}]} {
    "tpu.region"() ({
      %run_scoped3A = tpu.sem_alloc : memref<!tpu.dma_semaphore, #tpu.memory_space<semaphore_mem>>
      tpu.enqueue_dma source(%arg5 : memref<640x64xf32, #tpu.memory_space<hbm>>) target(%arg15 : memref<640x64xf32, #tpu.memory_space<vmem>>) target_semaphore(%run_scoped3A : memref<!tpu.dma_semaphore, #tpu.memory_space<semaphore_mem>>)
      tpu.wait_dma2 semaphore(%run_scoped3A : memref<!tpu.dma_semaphore, #tpu.memory_space<semaphore_mem>>) src(%arg5 : memref<640x64xf32, #tpu.memory_space<hbm>>) dst(%arg15 : memref<640x64xf32, #tpu.memory_space<vmem>>)
      tpu.yield
    }) : () -> ()
    %mul3A = arith.constant 640 : i32
    %mul3A_0 = arith.muli %arg1, %mul3A : i32
    "tpu.region"() ({
      %run_scoped3A = tpu.sem_alloc : memref<!tpu.dma_semaphore, #tpu.memory_space<semaphore_mem>>
      %dma_start3A = arith.constant 0 : i32
      %dma_start3A_16 = tpu.memref_slice %arg10[%mul3A_0, %dma_start3A] : memref<10240x64xf32, #tpu.memory_space<vmem_shared>> -> memref<640x64xf32, #tpu.memory_space<vmem_shared>>
      %dma_start3A_17 = arith.constant 0 : i32
      %dma_start3A_18 = tpu.memref_slice %arg10[%mul3A_0, %dma_start3A_17] : memref<10240x64xf32, #tpu.memory_space<vmem_shared>> -> memref<640x64xf32, #tpu.memory_space<vmem_shared>>
      tpu.enqueue_dma source(%arg15 : memref<640x64xf32, #tpu.memory_space<vmem>>) target(%dma_start3A_18 : memref<640x64xf32, #tpu.memory_space<vmem_shared>>) target_semaphore(%run_scoped3A : memref<!tpu.dma_semaphore, #tpu.memory_space<semaphore_mem>>)
      %dma_wait3A = arith.constant 0 : i32
      %dma_wait3A_19 = tpu.memref_slice %arg10[%mul3A_0, %dma_wait3A] : memref<10240x64xf32, #tpu.memory_space<vmem_shared>> -> memref<640x64xf32, #tpu.memory_space<vmem_shared>>
      %dma_wait3A_20 = arith.constant 0 : i32
      %dma_wait3A_21 = tpu.memref_slice %arg10[%mul3A_0, %dma_wait3A_20] : memref<10240x64xf32, #tpu.memory_space<vmem_shared>> -> memref<640x64xf32, #tpu.memory_space<vmem_shared>>
      tpu.wait_dma2 semaphore(%run_scoped3A : memref<!tpu.dma_semaphore, #tpu.memory_space<semaphore_mem>>) src(%arg15 : memref<640x64xf32, #tpu.memory_space<vmem>>) dst(%dma_wait3A_21 : memref<640x64xf32, #tpu.memory_space<vmem_shared>>)
      tpu.yield
    }) : () -> ()
    "tpu.region"() ({
      %run_scoped3A = tpu.sem_alloc : memref<!tpu.dma_semaphore, #tpu.memory_space<semaphore_mem>>
      tpu.enqueue_dma source(%arg6 : memref<640x16xf32, #tpu.memory_space<hbm>>) target(%arg16 : memref<640x16xf32, #tpu.memory_space<vmem>>) target_semaphore(%run_scoped3A : memref<!tpu.dma_semaphore, #tpu.memory_space<semaphore_mem>>)
      tpu.wait_dma2 semaphore(%run_scoped3A : memref<!tpu.dma_semaphore, #tpu.memory_space<semaphore_mem>>) src(%arg6 : memref<640x16xf32, #tpu.memory_space<hbm>>) dst(%arg16 : memref<640x16xf32, #tpu.memory_space<vmem>>)
      tpu.yield
    }) : () -> ()
    %mul3A_1 = arith.constant 640 : i32
    %mul3A_2 = arith.muli %arg1, %mul3A_1 : i32
    "tpu.region"() ({
      %run_scoped3A = tpu.sem_alloc : memref<!tpu.dma_semaphore, #tpu.memory_space<semaphore_mem>>
      %dma_start3A = arith.constant 0 : i32
      %dma_start3A_16 = tpu.memref_slice %arg11[%mul3A_2, %dma_start3A] : memref<10240x16xf32, #tpu.memory_space<vmem_shared>> -> memref<640x16xf32, #tpu.memory_space<vmem_shared>>
      %dma_start3A_17 = arith.constant 0 : i32
      %dma_start3A_18 = tpu.memref_slice %arg11[%mul3A_2, %dma_start3A_17] : memref<10240x16xf32, #tpu.memory_space<vmem_shared>> -> memref<640x16xf32, #tpu.memory_space<vmem_shared>>
      tpu.enqueue_dma source(%arg16 : memref<640x16xf32, #tpu.memory_space<vmem>>) target(%dma_start3A_18 : memref<640x16xf32, #tpu.memory_space<vmem_shared>>) target_semaphore(%run_scoped3A : memref<!tpu.dma_semaphore, #tpu.memory_space<semaphore_mem>>)
      %dma_wait3A = arith.constant 0 : i32
      %dma_wait3A_19 = tpu.memref_slice %arg11[%mul3A_2, %dma_wait3A] : memref<10240x16xf32, #tpu.memory_space<vmem_shared>> -> memref<640x16xf32, #tpu.memory_space<vmem_shared>>
      %dma_wait3A_20 = arith.constant 0 : i32
      %dma_wait3A_21 = tpu.memref_slice %arg11[%mul3A_2, %dma_wait3A_20] : memref<10240x16xf32, #tpu.memory_space<vmem_shared>> -> memref<640x16xf32, #tpu.memory_space<vmem_shared>>
      tpu.wait_dma2 semaphore(%run_scoped3A : memref<!tpu.dma_semaphore, #tpu.memory_space<semaphore_mem>>) src(%arg16 : memref<640x16xf32, #tpu.memory_space<vmem>>) dst(%dma_wait3A_21 : memref<640x16xf32, #tpu.memory_space<vmem_shared>>)
      tpu.yield
    }) : () -> ()
    "tpu.region"() ({
      %run_scoped3A = tpu.sem_alloc : memref<!tpu.dma_semaphore, #tpu.memory_space<semaphore_mem>>
      tpu.enqueue_dma source(%arg7 : memref<80x16xf32, #tpu.memory_space<hbm>>) target(%arg17 : memref<80x16xf32, #tpu.memory_space<vmem>>) target_semaphore(%run_scoped3A : memref<!tpu.dma_semaphore, #tpu.memory_space<semaphore_mem>>)
      tpu.wait_dma2 semaphore(%run_scoped3A : memref<!tpu.dma_semaphore, #tpu.memory_space<semaphore_mem>>) src(%arg7 : memref<80x16xf32, #tpu.memory_space<hbm>>) dst(%arg17 : memref<80x16xf32, #tpu.memory_space<vmem>>)
      tpu.yield
    }) : () -> ()
    %barrier3A = arith.constant 0 : index
    tpu.barrier barrier_id(%barrier3A)
    %mul3A_3 = arith.constant 20000 : i32
    %mul3A_4 = arith.muli %arg1, %mul3A_3 : i32
    %scan3A = arith.constant 0 : i32
    %scan3A_5 = arith.constant 250 : i32
    %scan3A_6 = arith.addi %scan3A, %scan3A_5 : i32
    %scan3A_7 = arith.constant 1 : i32
    scf.for %scan3A_16 = %scan3A to %scan3A_6 step %scan3A_7  : i32 {
      %mul3A_17 = arith.constant 80 : i32
      %mul3A_18 = arith.muli %scan3A_16, %mul3A_17 : i32
      %add3A = arith.addi %mul3A_4, %mul3A_18 : i32
      %mul3A_19 = arith.constant 320000 : i32
      %mul3A_20 = arith.muli %arg0, %mul3A_19 : i32
      %add3A_21 = arith.addi %mul3A_20, %add3A : i32
      "tpu.region"() ({
        %run_scoped3A = tpu.sem_alloc : memref<!tpu.dma_semaphore, #tpu.memory_space<semaphore_mem>>
        %dma_start3A_31 = tpu.memref_slice %arg3[%add3A_21] : memref<640000xi32, #tpu.memory_space<hbm>> -> memref<80xi32, #tpu.memory_space<hbm>>
        %dma_start3A_32 = tpu.memref_slice %arg3[%add3A_21] : memref<640000xi32, #tpu.memory_space<hbm>> -> memref<80xi32, #tpu.memory_space<hbm>>
        tpu.enqueue_dma source(%dma_start3A_32 : memref<80xi32, #tpu.memory_space<hbm>>) target(%arg12 : memref<80xi32, #tpu.memory_space<vmem>>) target_semaphore(%run_scoped3A : memref<!tpu.dma_semaphore, #tpu.memory_space<semaphore_mem>>)
        %dma_wait3A_33 = tpu.memref_slice %arg3[%add3A_21] : memref<640000xi32, #tpu.memory_space<hbm>> -> memref<80xi32, #tpu.memory_space<hbm>>
        %dma_wait3A_34 = tpu.memref_slice %arg3[%add3A_21] : memref<640000xi32, #tpu.memory_space<hbm>> -> memref<80xi32, #tpu.memory_space<hbm>>
        tpu.wait_dma2 semaphore(%run_scoped3A : memref<!tpu.dma_semaphore, #tpu.memory_space<semaphore_mem>>) src(%dma_wait3A_34 : memref<80xi32, #tpu.memory_space<hbm>>) dst(%arg12 : memref<80xi32, #tpu.memory_space<vmem>>)
        tpu.yield
      }) : () -> ()
      "tpu.region"() ({
        %run_scoped3A = tpu.sem_alloc : memref<!tpu.dma_semaphore, #tpu.memory_space<semaphore_mem>>
        %dma_start3A_31 = tpu.memref_slice %arg4[%add3A] : memref<320000xi32, #tpu.memory_space<hbm>> -> memref<80xi32, #tpu.memory_space<hbm>>
        %dma_start3A_32 = tpu.memref_slice %arg4[%add3A] : memref<320000xi32, #tpu.memory_space<hbm>> -> memref<80xi32, #tpu.memory_space<hbm>>
        tpu.enqueue_dma source(%dma_start3A_32 : memref<80xi32, #tpu.memory_space<hbm>>) target(%arg13 : memref<80xi32, #tpu.memory_space<vmem>>) target_semaphore(%run_scoped3A : memref<!tpu.dma_semaphore, #tpu.memory_space<semaphore_mem>>)
        %dma_wait3A_33 = tpu.memref_slice %arg4[%add3A] : memref<320000xi32, #tpu.memory_space<hbm>> -> memref<80xi32, #tpu.memory_space<hbm>>
        %dma_wait3A_34 = tpu.memref_slice %arg4[%add3A] : memref<320000xi32, #tpu.memory_space<hbm>> -> memref<80xi32, #tpu.memory_space<hbm>>
        tpu.wait_dma2 semaphore(%run_scoped3A : memref<!tpu.dma_semaphore, #tpu.memory_space<semaphore_mem>>) src(%dma_wait3A_34 : memref<80xi32, #tpu.memory_space<hbm>>) dst(%arg13 : memref<80xi32, #tpu.memory_space<vmem>>)
        tpu.yield
      }) : () -> ()
      %dma_start3A = arith.constant 0 : i32
      %dma_start3A_22 = arith.constant 0 : i32
      %dma_start3A_23 = tpu.memref_slice %arg2[%dma_start3A, %dma_start3A_22] : memref<20000x64xf32, #tpu.memory_space<hbm>> -> memref<20000x64xf32, #tpu.memory_space<hbm>>
      tpu.enqueue_indirect_dma source(%dma_start3A_23 : memref<20000x64xf32, #tpu.memory_space<hbm>>) target(%arg14 : memref<80x64xf32, #tpu.memory_space<vmem>>) offsets(%arg12 : memref<80xi32, #tpu.memory_space<vmem>>) semaphore(%arg18 : memref<!tpu.dma_semaphore, #tpu.memory_space<semaphore_mem>>)
      %dma_wait3A = arith.constant 0 : i32
      %dma_wait3A_24 = arith.constant 0 : i32
      %dma_wait3A_25 = tpu.memref_slice %arg2[%dma_wait3A, %dma_wait3A_24] : memref<20000x64xf32, #tpu.memory_space<hbm>> -> memref<20000x64xf32, #tpu.memory_space<hbm>>
      tpu.wait_indirect_dma semaphore(%arg18 : memref<!tpu.dma_semaphore, #tpu.memory_space<semaphore_mem>>) src(%dma_wait3A_25 : memref<20000x64xf32, #tpu.memory_space<hbm>>) dst(%arg14 : memref<80x64xf32, #tpu.memory_space<vmem>>)
      "tpu.region"() ({
        %run_scoped3A = tpu.sem_alloc : memref<!tpu.dma_semaphore, #tpu.memory_space<semaphore_mem>>
        %dma_start3A_31 = arith.constant 0 : i32
        %dma_start3A_32 = arith.constant 0 : i32
        %dma_start3A_33 = tpu.memref_slice %arg10[%dma_start3A_31, %dma_start3A_32] : memref<10240x64xf32, #tpu.memory_space<vmem_shared>> -> memref<10240x64xf32, #tpu.memory_space<vmem_shared>>
        tpu.enqueue_indirect_dma source(%arg14 : memref<80x64xf32, #tpu.memory_space<vmem>>) target(%dma_start3A_33 : memref<10240x64xf32, #tpu.memory_space<vmem_shared>>) offsets(%arg13 : memref<80xi32, #tpu.memory_space<vmem>>) semaphore(%run_scoped3A : memref<!tpu.dma_semaphore, #tpu.memory_space<semaphore_mem>>) {add = true}
        %dma_wait3A_34 = arith.constant 0 : i32
        %dma_wait3A_35 = arith.constant 0 : i32
        %dma_wait3A_36 = tpu.memref_slice %arg10[%dma_wait3A_34, %dma_wait3A_35] : memref<10240x64xf32, #tpu.memory_space<vmem_shared>> -> memref<10240x64xf32, #tpu.memory_space<vmem_shared>>
        tpu.wait_indirect_dma semaphore(%run_scoped3A : memref<!tpu.dma_semaphore, #tpu.memory_space<semaphore_mem>>) src(%arg14 : memref<80x64xf32, #tpu.memory_space<vmem>>) dst(%dma_wait3A_36 : memref<10240x64xf32, #tpu.memory_space<vmem_shared>>)
        tpu.yield
      }) : () -> ()
      %eq3A_26 = arith.constant 0 : i32
      %eq3A_27 = arith.cmpi eq, %arg0, %eq3A_26 : i32
      %convert_element_type3A_28 = arith.extui %eq3A_27 : i1 to i32
      %cond3A_29 = arith.constant 0 : i32
      %cond3A_30 = arith.cmpi ne, %convert_element_type3A_28, %cond3A_29 : i32
      scf.if %cond3A_30 {
        "tpu.region"() ({
          %run_scoped3A = tpu.sem_alloc : memref<!tpu.dma_semaphore, #tpu.memory_space<semaphore_mem>>
          %dma_start3A_31 = arith.constant 0 : i32
          %dma_start3A_32 = arith.constant 0 : i32
          %dma_start3A_33 = tpu.memref_slice %arg11[%dma_start3A_31, %dma_start3A_32] : memref<10240x16xf32, #tpu.memory_space<vmem_shared>> -> memref<10240x16xf32, #tpu.memory_space<vmem_shared>>
          tpu.enqueue_indirect_dma source(%arg17 : memref<80x16xf32, #tpu.memory_space<vmem>>) target(%dma_start3A_33 : memref<10240x16xf32, #tpu.memory_space<vmem_shared>>) offsets(%arg13 : memref<80xi32, #tpu.memory_space<vmem>>) semaphore(%run_scoped3A : memref<!tpu.dma_semaphore, #tpu.memory_space<semaphore_mem>>) {add = true}
          %dma_wait3A_34 = arith.constant 0 : i32
          %dma_wait3A_35 = arith.constant 0 : i32
          %dma_wait3A_36 = tpu.memref_slice %arg11[%dma_wait3A_34, %dma_wait3A_35] : memref<10240x16xf32, #tpu.memory_space<vmem_shared>> -> memref<10240x16xf32, #tpu.memory_space<vmem_shared>>
          tpu.wait_indirect_dma semaphore(%run_scoped3A : memref<!tpu.dma_semaphore, #tpu.memory_space<semaphore_mem>>) src(%arg17 : memref<80x16xf32, #tpu.memory_space<vmem>>) dst(%dma_wait3A_36 : memref<10240x16xf32, #tpu.memory_space<vmem_shared>>)
          tpu.yield
        }) : () -> ()
      } else {
      }
    }
    %scan3A_8 = arith.constant 250 : i32
    %barrier3A_9 = arith.constant 0 : index
    tpu.barrier barrier_id(%barrier3A_9)
    %lt3A = arith.constant 15 : i32
    %lt3A_10 = arith.cmpi slt, %arg1, %lt3A : i32
    %convert_element_type3A = arith.extui %lt3A_10 : i1 to i32
    %cond3A = arith.constant 0 : i32
    %cond3A_11 = arith.cmpi ne, %convert_element_type3A, %cond3A : i32
    scf.if %cond3A_11 {
      %mul3A_16 = arith.constant 640 : i32
      %mul3A_17 = arith.muli %arg1, %mul3A_16 : i32
      "tpu.region"() ({
        %run_scoped3A = tpu.sem_alloc : memref<!tpu.dma_semaphore, #tpu.memory_space<semaphore_mem>>
        %dma_start3A = arith.constant 0 : i32
        %dma_start3A_23 = arith.constant 0 : i32
        %dma_start3A_24 = tpu.memref_slice %arg15[%dma_start3A, %dma_start3A_23] : memref<640x64xf32, #tpu.memory_space<vmem>> -> memref<640x64xf32, #tpu.memory_space<vmem>>
        %dma_start3A_25 = arith.constant 0 : i32
        %dma_start3A_26 = tpu.memref_slice %arg10[%mul3A_17, %dma_start3A_25] : memref<10240x64xf32, #tpu.memory_space<vmem_shared>> -> memref<640x64xf32, #tpu.memory_space<vmem_shared>>
        %dma_start3A_27 = arith.constant 0 : i32
        %dma_start3A_28 = arith.constant 0 : i32
        %dma_start3A_29 = tpu.memref_slice %arg15[%dma_start3A_27, %dma_start3A_28] : memref<640x64xf32, #tpu.memory_space<vmem>> -> memref<640x64xf32, #tpu.memory_space<vmem>>
        %dma_start3A_30 = arith.constant 0 : i32
        %dma_start3A_31 = tpu.memref_slice %arg10[%mul3A_17, %dma_start3A_30] : memref<10240x64xf32, #tpu.memory_space<vmem_shared>> -> memref<640x64xf32, #tpu.memory_space<vmem_shared>>
        tpu.enqueue_dma source(%dma_start3A_31 : memref<640x64xf32, #tpu.memory_space<vmem_shared>>) target(%dma_start3A_29 : memref<640x64xf32, #tpu.memory_space<vmem>>) target_semaphore(%run_scoped3A : memref<!tpu.dma_semaphore, #tpu.memory_space<semaphore_mem>>)
        %dma_wait3A = arith.constant 0 : i32
        %dma_wait3A_32 = arith.constant 0 : i32
        %dma_wait3A_33 = tpu.memref_slice %arg15[%dma_wait3A, %dma_wait3A_32] : memref<640x64xf32, #tpu.memory_space<vmem>> -> memref<640x64xf32, #tpu.memory_space<vmem>>
        %dma_wait3A_34 = arith.constant 0 : i32
        %dma_wait3A_35 = tpu.memref_slice %arg10[%mul3A_17, %dma_wait3A_34] : memref<10240x64xf32, #tpu.memory_space<vmem_shared>> -> memref<640x64xf32, #tpu.memory_space<vmem_shared>>
        %dma_wait3A_36 = arith.constant 0 : i32
        %dma_wait3A_37 = arith.constant 0 : i32
        %dma_wait3A_38 = tpu.memref_slice %arg15[%dma_wait3A_36, %dma_wait3A_37] : memref<640x64xf32, #tpu.memory_space<vmem>> -> memref<640x64xf32, #tpu.memory_space<vmem>>
        %dma_wait3A_39 = arith.constant 0 : i32
        %dma_wait3A_40 = tpu.memref_slice %arg10[%mul3A_17, %dma_wait3A_39] : memref<10240x64xf32, #tpu.memory_space<vmem_shared>> -> memref<640x64xf32, #tpu.memory_space<vmem_shared>>
        tpu.wait_dma2 semaphore(%run_scoped3A : memref<!tpu.dma_semaphore, #tpu.memory_space<semaphore_mem>>) src(%dma_wait3A_40 : memref<640x64xf32, #tpu.memory_space<vmem_shared>>) dst(%dma_wait3A_38 : memref<640x64xf32, #tpu.memory_space<vmem>>)
        tpu.yield
      }) : () -> ()
      "tpu.region"() ({
        %run_scoped3A = tpu.sem_alloc : memref<!tpu.dma_semaphore, #tpu.memory_space<semaphore_mem>>
        %dma_start3A = arith.constant 0 : i32
        %dma_start3A_23 = arith.constant 0 : i32
        %dma_start3A_24 = tpu.memref_slice %arg15[%dma_start3A, %dma_start3A_23] : memref<640x64xf32, #tpu.memory_space<vmem>> -> memref<640x64xf32, #tpu.memory_space<vmem>>
        %dma_start3A_25 = arith.constant 0 : i32
        %dma_start3A_26 = tpu.memref_slice %arg8[%arg0, %mul3A_17, %dma_start3A_25] : memref<2x10000x64xf32, #tpu.memory_space<hbm>> -> memref<1x640x64xf32, #tpu.memory_space<hbm>>
        %dma_start3A_27 = tpu.memref_squeeze %dma_start3A_26 : memref<1x640x64xf32, #tpu.memory_space<hbm>> -> memref<640x64xf32, #tpu.memory_space<hbm>>
        %dma_start3A_28 = arith.constant 0 : i32
        %dma_start3A_29 = tpu.memref_slice %arg8[%arg0, %mul3A_17, %dma_start3A_28] : memref<2x10000x64xf32, #tpu.memory_space<hbm>> -> memref<1x640x64xf32, #tpu.memory_space<hbm>>
        %dma_start3A_30 = tpu.memref_squeeze %dma_start3A_29 : memref<1x640x64xf32, #tpu.memory_space<hbm>> -> memref<640x64xf32, #tpu.memory_space<hbm>>
        %dma_start3A_31 = arith.constant 0 : i32
        %dma_start3A_32 = arith.constant 0 : i32
        %dma_start3A_33 = tpu.memref_slice %arg15[%dma_start3A_31, %dma_start3A_32] : memref<640x64xf32, #tpu.memory_space<vmem>> -> memref<640x64xf32, #tpu.memory_space<vmem>>
        tpu.enqueue_dma source(%dma_start3A_33 : memref<640x64xf32, #tpu.memory_space<vmem>>) target(%dma_start3A_30 : memref<640x64xf32, #tpu.memory_space<hbm>>) target_semaphore(%run_scoped3A : memref<!tpu.dma_semaphore, #tpu.memory_space<semaphore_mem>>)
        %dma_wait3A = arith.constant 0 : i32
        %dma_wait3A_34 = arith.constant 0 : i32
        %dma_wait3A_35 = tpu.memref_slice %arg15[%dma_wait3A, %dma_wait3A_34] : memref<640x64xf32, #tpu.memory_space<vmem>> -> memref<640x64xf32, #tpu.memory_space<vmem>>
        %dma_wait3A_36 = arith.constant 0 : i32
        %dma_wait3A_37 = tpu.memref_slice %arg8[%arg0, %mul3A_17, %dma_wait3A_36] : memref<2x10000x64xf32, #tpu.memory_space<hbm>> -> memref<1x640x64xf32, #tpu.memory_space<hbm>>
        %dma_wait3A_38 = tpu.memref_squeeze %dma_wait3A_37 : memref<1x640x64xf32, #tpu.memory_space<hbm>> -> memref<640x64xf32, #tpu.memory_space<hbm>>
        %dma_wait3A_39 = arith.constant 0 : i32
        %dma_wait3A_40 = tpu.memref_slice %arg8[%arg0, %mul3A_17, %dma_wait3A_39] : memref<2x10000x64xf32, #tpu.memory_space<hbm>> -> memref<1x640x64xf32, #tpu.memory_space<hbm>>
        %dma_wait3A_41 = tpu.memref_squeeze %dma_wait3A_40 : memref<1x640x64xf32, #tpu.memory_space<hbm>> -> memref<640x64xf32, #tpu.memory_space<hbm>>
        %dma_wait3A_42 = arith.constant 0 : i32
        %dma_wait3A_43 = arith.constant 0 : i32
        %dma_wait3A_44 = tpu.memref_slice %arg15[%dma_wait3A_42, %dma_wait3A_43] : memref<640x64xf32, #tpu.memory_space<vmem>> -> memref<640x64xf32, #tpu.memory_space<vmem>>
        tpu.wait_dma2 semaphore(%run_scoped3A : memref<!tpu.dma_semaphore, #tpu.memory_space<semaphore_mem>>) src(%dma_wait3A_44 : memref<640x64xf32, #tpu.memory_space<vmem>>) dst(%dma_wait3A_41 : memref<640x64xf32, #tpu.memory_space<hbm>>)
        tpu.yield
      }) : () -> ()
      %eq3A_18 = arith.constant 0 : i32
      %eq3A_19 = arith.cmpi eq, %arg0, %eq3A_18 : i32
      %convert_element_type3A_20 = arith.extui %eq3A_19 : i1 to i32
      %cond3A_21 = arith.constant 0 : i32
      %cond3A_22 = arith.cmpi ne, %convert_element_type3A_20, %cond3A_21 : i32
      scf.if %cond3A_22 {
        "tpu.region"() ({
          %run_scoped3A = tpu.sem_alloc : memref<!tpu.dma_semaphore, #tpu.memory_space<semaphore_mem>>
          %dma_start3A = arith.constant 0 : i32
          %dma_start3A_23 = arith.constant 0 : i32
          %dma_start3A_24 = tpu.memref_slice %arg16[%dma_start3A, %dma_start3A_23] : memref<640x16xf32, #tpu.memory_space<vmem>> -> memref<640x16xf32, #tpu.memory_space<vmem>>
          %dma_start3A_25 = arith.constant 0 : i32
          %dma_start3A_26 = tpu.memref_slice %arg11[%mul3A_17, %dma_start3A_25] : memref<10240x16xf32, #tpu.memory_space<vmem_shared>> -> memref<640x16xf32, #tpu.memory_space<vmem_shared>>
          %dma_start3A_27 = arith.constant 0 : i32
          %dma_start3A_28 = arith.constant 0 : i32
          %dma_start3A_29 = tpu.memref_slice %arg16[%dma_start3A_27, %dma_start3A_28] : memref<640x16xf32, #tpu.memory_space<vmem>> -> memref<640x16xf32, #tpu.memory_space<vmem>>
          %dma_start3A_30 = arith.constant 0 : i32
          %dma_start3A_31 = tpu.memref_slice %arg11[%mul3A_17, %dma_start3A_30] : memref<10240x16xf32, #tpu.memory_space<vmem_shared>> -> memref<640x16xf32, #tpu.memory_space<vmem_shared>>
          tpu.enqueue_dma source(%dma_start3A_31 : memref<640x16xf32, #tpu.memory_space<vmem_shared>>) target(%dma_start3A_29 : memref<640x16xf32, #tpu.memory_space<vmem>>) target_semaphore(%run_scoped3A : memref<!tpu.dma_semaphore, #tpu.memory_space<semaphore_mem>>)
          %dma_wait3A = arith.constant 0 : i32
          %dma_wait3A_32 = arith.constant 0 : i32
          %dma_wait3A_33 = tpu.memref_slice %arg16[%dma_wait3A, %dma_wait3A_32] : memref<640x16xf32, #tpu.memory_space<vmem>> -> memref<640x16xf32, #tpu.memory_space<vmem>>
          %dma_wait3A_34 = arith.constant 0 : i32
          %dma_wait3A_35 = tpu.memref_slice %arg11[%mul3A_17, %dma_wait3A_34] : memref<10240x16xf32, #tpu.memory_space<vmem_shared>> -> memref<640x16xf32, #tpu.memory_space<vmem_shared>>
          %dma_wait3A_36 = arith.constant 0 : i32
          %dma_wait3A_37 = arith.constant 0 : i32
          %dma_wait3A_38 = tpu.memref_slice %arg16[%dma_wait3A_36, %dma_wait3A_37] : memref<640x16xf32, #tpu.memory_space<vmem>> -> memref<640x16xf32, #tpu.memory_space<vmem>>
          %dma_wait3A_39 = arith.constant 0 : i32
          %dma_wait3A_40 = tpu.memref_slice %arg11[%mul3A_17, %dma_wait3A_39] : memref<10240x16xf32, #tpu.memory_space<vmem_shared>> -> memref<640x16xf32, #tpu.memory_space<vmem_shared>>
          tpu.wait_dma2 semaphore(%run_scoped3A : memref<!tpu.dma_semaphore, #tpu.memory_space<semaphore_mem>>) src(%dma_wait3A_40 : memref<640x16xf32, #tpu.memory_space<vmem_shared>>) dst(%dma_wait3A_38 : memref<640x16xf32, #tpu.memory_space<vmem>>)
          tpu.yield
        }) : () -> ()
        "tpu.region"() ({
          %run_scoped3A = tpu.sem_alloc : memref<!tpu.dma_semaphore, #tpu.memory_space<semaphore_mem>>
          %dma_start3A = arith.constant 0 : i32
          %dma_start3A_23 = arith.constant 0 : i32
          %dma_start3A_24 = tpu.memref_slice %arg16[%dma_start3A, %dma_start3A_23] : memref<640x16xf32, #tpu.memory_space<vmem>> -> memref<640x16xf32, #tpu.memory_space<vmem>>
          %dma_start3A_25 = arith.constant 0 : i32
          %dma_start3A_26 = tpu.memref_slice %arg9[%mul3A_17, %dma_start3A_25] : memref<10000x16xf32, #tpu.memory_space<hbm>> -> memref<640x16xf32, #tpu.memory_space<hbm>>
          %dma_start3A_27 = arith.constant 0 : i32
          %dma_start3A_28 = tpu.memref_slice %arg9[%mul3A_17, %dma_start3A_27] : memref<10000x16xf32, #tpu.memory_space<hbm>> -> memref<640x16xf32, #tpu.memory_space<hbm>>
          %dma_start3A_29 = arith.constant 0 : i32
          %dma_start3A_30 = arith.constant 0 : i32
          %dma_start3A_31 = tpu.memref_slice %arg16[%dma_start3A_29, %dma_start3A_30] : memref<640x16xf32, #tpu.memory_space<vmem>> -> memref<640x16xf32, #tpu.memory_space<vmem>>
          tpu.enqueue_dma source(%dma_start3A_31 : memref<640x16xf32, #tpu.memory_space<vmem>>) target(%dma_start3A_28 : memref<640x16xf32, #tpu.memory_space<hbm>>) target_semaphore(%run_scoped3A : memref<!tpu.dma_semaphore, #tpu.memory_space<semaphore_mem>>)
          %dma_wait3A = arith.constant 0 : i32
          %dma_wait3A_32 = arith.constant 0 : i32
          %dma_wait3A_33 = tpu.memref_slice %arg16[%dma_wait3A, %dma_wait3A_32] : memref<640x16xf32, #tpu.memory_space<vmem>> -> memref<640x16xf32, #tpu.memory_space<vmem>>
          %dma_wait3A_34 = arith.constant 0 : i32
          %dma_wait3A_35 = tpu.memref_slice %arg9[%mul3A_17, %dma_wait3A_34] : memref<10000x16xf32, #tpu.memory_space<hbm>> -> memref<640x16xf32, #tpu.memory_space<hbm>>
          %dma_wait3A_36 = arith.constant 0 : i32
          %dma_wait3A_37 = tpu.memref_slice %arg9[%mul3A_17, %dma_wait3A_36] : memref<10000x16xf32, #tpu.memory_space<hbm>> -> memref<640x16xf32, #tpu.memory_space<hbm>>
          %dma_wait3A_38 = arith.constant 0 : i32
          %dma_wait3A_39 = arith.constant 0 : i32
          %dma_wait3A_40 = tpu.memref_slice %arg16[%dma_wait3A_38, %dma_wait3A_39] : memref<640x16xf32, #tpu.memory_space<vmem>> -> memref<640x16xf32, #tpu.memory_space<vmem>>
          tpu.wait_dma2 semaphore(%run_scoped3A : memref<!tpu.dma_semaphore, #tpu.memory_space<semaphore_mem>>) src(%dma_wait3A_40 : memref<640x16xf32, #tpu.memory_space<vmem>>) dst(%dma_wait3A_37 : memref<640x16xf32, #tpu.memory_space<hbm>>)
          tpu.yield
        }) : () -> ()
      } else {
      }
    } else {
    }
    %eq3A = arith.constant 15 : i32
    %eq3A_12 = arith.cmpi eq, %arg1, %eq3A : i32
    %convert_element_type3A_13 = arith.extui %eq3A_12 : i1 to i32
    %cond3A_14 = arith.constant 0 : i32
    %cond3A_15 = arith.cmpi ne, %convert_element_type3A_13, %cond3A_14 : i32
    scf.if %cond3A_15 {
      %mul3A_16 = arith.constant 640 : i32
      %mul3A_17 = arith.muli %arg1, %mul3A_16 : i32
      "tpu.region"() ({
        %run_scoped3A = tpu.sem_alloc : memref<!tpu.dma_semaphore, #tpu.memory_space<semaphore_mem>>
        %dma_start3A = arith.constant 0 : i32
        %dma_start3A_23 = arith.constant 0 : i32
        %dma_start3A_24 = tpu.memref_slice %arg15[%dma_start3A, %dma_start3A_23] : memref<640x64xf32, #tpu.memory_space<vmem>> -> memref<400x64xf32, #tpu.memory_space<vmem>>
        %dma_start3A_25 = arith.constant 0 : i32
        %dma_start3A_26 = tpu.memref_slice %arg10[%mul3A_17, %dma_start3A_25] : memref<10240x64xf32, #tpu.memory_space<vmem_shared>> -> memref<400x64xf32, #tpu.memory_space<vmem_shared>>
        %dma_start3A_27 = arith.constant 0 : i32
        %dma_start3A_28 = arith.constant 0 : i32
        %dma_start3A_29 = tpu.memref_slice %arg15[%dma_start3A_27, %dma_start3A_28] : memref<640x64xf32, #tpu.memory_space<vmem>> -> memref<400x64xf32, #tpu.memory_space<vmem>>
        %dma_start3A_30 = arith.constant 0 : i32
        %dma_start3A_31 = tpu.memref_slice %arg10[%mul3A_17, %dma_start3A_30] : memref<10240x64xf32, #tpu.memory_space<vmem_shared>> -> memref<400x64xf32, #tpu.memory_space<vmem_shared>>
        tpu.enqueue_dma source(%dma_start3A_31 : memref<400x64xf32, #tpu.memory_space<vmem_shared>>) target(%dma_start3A_29 : memref<400x64xf32, #tpu.memory_space<vmem>>) target_semaphore(%run_scoped3A : memref<!tpu.dma_semaphore, #tpu.memory_space<semaphore_mem>>)
        %dma_wait3A = arith.constant 0 : i32
        %dma_wait3A_32 = arith.constant 0 : i32
        %dma_wait3A_33 = tpu.memref_slice %arg15[%dma_wait3A, %dma_wait3A_32] : memref<640x64xf32, #tpu.memory_space<vmem>> -> memref<400x64xf32, #tpu.memory_space<vmem>>
        %dma_wait3A_34 = arith.constant 0 : i32
        %dma_wait3A_35 = tpu.memref_slice %arg10[%mul3A_17, %dma_wait3A_34] : memref<10240x64xf32, #tpu.memory_space<vmem_shared>> -> memref<400x64xf32, #tpu.memory_space<vmem_shared>>
        %dma_wait3A_36 = arith.constant 0 : i32
        %dma_wait3A_37 = arith.constant 0 : i32
        %dma_wait3A_38 = tpu.memref_slice %arg15[%dma_wait3A_36, %dma_wait3A_37] : memref<640x64xf32, #tpu.memory_space<vmem>> -> memref<400x64xf32, #tpu.memory_space<vmem>>
        %dma_wait3A_39 = arith.constant 0 : i32
        %dma_wait3A_40 = tpu.memref_slice %arg10[%mul3A_17, %dma_wait3A_39] : memref<10240x64xf32, #tpu.memory_space<vmem_shared>> -> memref<400x64xf32, #tpu.memory_space<vmem_shared>>
        tpu.wait_dma2 semaphore(%run_scoped3A : memref<!tpu.dma_semaphore, #tpu.memory_space<semaphore_mem>>) src(%dma_wait3A_40 : memref<400x64xf32, #tpu.memory_space<vmem_shared>>) dst(%dma_wait3A_38 : memref<400x64xf32, #tpu.memory_space<vmem>>)
        tpu.yield
      }) : () -> ()
      "tpu.region"() ({
        %run_scoped3A = tpu.sem_alloc : memref<!tpu.dma_semaphore, #tpu.memory_space<semaphore_mem>>
        %dma_start3A = arith.constant 0 : i32
        %dma_start3A_23 = arith.constant 0 : i32
        %dma_start3A_24 = tpu.memref_slice %arg15[%dma_start3A, %dma_start3A_23] : memref<640x64xf32, #tpu.memory_space<vmem>> -> memref<400x64xf32, #tpu.memory_space<vmem>>
        %dma_start3A_25 = arith.constant 0 : i32
        %dma_start3A_26 = tpu.memref_slice %arg8[%arg0, %mul3A_17, %dma_start3A_25] : memref<2x10000x64xf32, #tpu.memory_space<hbm>> -> memref<1x400x64xf32, #tpu.memory_space<hbm>>
        %dma_start3A_27 = tpu.memref_squeeze %dma_start3A_26 : memref<1x400x64xf32, #tpu.memory_space<hbm>> -> memref<400x64xf32, #tpu.memory_space<hbm>>
        %dma_start3A_28 = arith.constant 0 : i32
        %dma_start3A_29 = tpu.memref_slice %arg8[%arg0, %mul3A_17, %dma_start3A_28] : memref<2x10000x64xf32, #tpu.memory_space<hbm>> -> memref<1x400x64xf32, #tpu.memory_space<hbm>>
        %dma_start3A_30 = tpu.memref_squeeze %dma_start3A_29 : memref<1x400x64xf32, #tpu.memory_space<hbm>> -> memref<400x64xf32, #tpu.memory_space<hbm>>
        %dma_start3A_31 = arith.constant 0 : i32
        %dma_start3A_32 = arith.constant 0 : i32
        %dma_start3A_33 = tpu.memref_slice %arg15[%dma_start3A_31, %dma_start3A_32] : memref<640x64xf32, #tpu.memory_space<vmem>> -> memref<400x64xf32, #tpu.memory_space<vmem>>
        tpu.enqueue_dma source(%dma_start3A_33 : memref<400x64xf32, #tpu.memory_space<vmem>>) target(%dma_start3A_30 : memref<400x64xf32, #tpu.memory_space<hbm>>) target_semaphore(%run_scoped3A : memref<!tpu.dma_semaphore, #tpu.memory_space<semaphore_mem>>)
        %dma_wait3A = arith.constant 0 : i32
        %dma_wait3A_34 = arith.constant 0 : i32
        %dma_wait3A_35 = tpu.memref_slice %arg15[%dma_wait3A, %dma_wait3A_34] : memref<640x64xf32, #tpu.memory_space<vmem>> -> memref<400x64xf32, #tpu.memory_space<vmem>>
        %dma_wait3A_36 = arith.constant 0 : i32
        %dma_wait3A_37 = tpu.memref_slice %arg8[%arg0, %mul3A_17, %dma_wait3A_36] : memref<2x10000x64xf32, #tpu.memory_space<hbm>> -> memref<1x400x64xf32, #tpu.memory_space<hbm>>
        %dma_wait3A_38 = tpu.memref_squeeze %dma_wait3A_37 : memref<1x400x64xf32, #tpu.memory_space<hbm>> -> memref<400x64xf32, #tpu.memory_space<hbm>>
        %dma_wait3A_39 = arith.constant 0 : i32
        %dma_wait3A_40 = tpu.memref_slice %arg8[%arg0, %mul3A_17, %dma_wait3A_39] : memref<2x10000x64xf32, #tpu.memory_space<hbm>> -> memref<1x400x64xf32, #tpu.memory_space<hbm>>
        %dma_wait3A_41 = tpu.memref_squeeze %dma_wait3A_40 : memref<1x400x64xf32, #tpu.memory_space<hbm>> -> memref<400x64xf32, #tpu.memory_space<hbm>>
        %dma_wait3A_42 = arith.constant 0 : i32
        %dma_wait3A_43 = arith.constant 0 : i32
        %dma_wait3A_44 = tpu.memref_slice %arg15[%dma_wait3A_42, %dma_wait3A_43] : memref<640x64xf32, #tpu.memory_space<vmem>> -> memref<400x64xf32, #tpu.memory_space<vmem>>
        tpu.wait_dma2 semaphore(%run_scoped3A : memref<!tpu.dma_semaphore, #tpu.memory_space<semaphore_mem>>) src(%dma_wait3A_44 : memref<400x64xf32, #tpu.memory_space<vmem>>) dst(%dma_wait3A_41 : memref<400x64xf32, #tpu.memory_space<hbm>>)
        tpu.yield
      }) : () -> ()
      %eq3A_18 = arith.constant 0 : i32
      %eq3A_19 = arith.cmpi eq, %arg0, %eq3A_18 : i32
      %convert_element_type3A_20 = arith.extui %eq3A_19 : i1 to i32
      %cond3A_21 = arith.constant 0 : i32
      %cond3A_22 = arith.cmpi ne, %convert_element_type3A_20, %cond3A_21 : i32
      scf.if %cond3A_22 {
        "tpu.region"() ({
          %run_scoped3A = tpu.sem_alloc : memref<!tpu.dma_semaphore, #tpu.memory_space<semaphore_mem>>
          %dma_start3A = arith.constant 0 : i32
          %dma_start3A_23 = arith.constant 0 : i32
          %dma_start3A_24 = tpu.memref_slice %arg16[%dma_start3A, %dma_start3A_23] : memref<640x16xf32, #tpu.memory_space<vmem>> -> memref<400x16xf32, #tpu.memory_space<vmem>>
          %dma_start3A_25 = arith.constant 0 : i32
          %dma_start3A_26 = tpu.memref_slice %arg11[%mul3A_17, %dma_start3A_25] : memref<10240x16xf32, #tpu.memory_space<vmem_shared>> -> memref<400x16xf32, #tpu.memory_space<vmem_shared>>
          %dma_start3A_27 = arith.constant 0 : i32
          %dma_start3A_28 = arith.constant 0 : i32
          %dma_start3A_29 = tpu.memref_slice %arg16[%dma_start3A_27, %dma_start3A_28] : memref<640x16xf32, #tpu.memory_space<vmem>> -> memref<400x16xf32, #tpu.memory_space<vmem>>
          %dma_start3A_30 = arith.constant 0 : i32
          %dma_start3A_31 = tpu.memref_slice %arg11[%mul3A_17, %dma_start3A_30] : memref<10240x16xf32, #tpu.memory_space<vmem_shared>> -> memref<400x16xf32, #tpu.memory_space<vmem_shared>>
          tpu.enqueue_dma source(%dma_start3A_31 : memref<400x16xf32, #tpu.memory_space<vmem_shared>>) target(%dma_start3A_29 : memref<400x16xf32, #tpu.memory_space<vmem>>) target_semaphore(%run_scoped3A : memref<!tpu.dma_semaphore, #tpu.memory_space<semaphore_mem>>)
          %dma_wait3A = arith.constant 0 : i32
          %dma_wait3A_32 = arith.constant 0 : i32
          %dma_wait3A_33 = tpu.memref_slice %arg16[%dma_wait3A, %dma_wait3A_32] : memref<640x16xf32, #tpu.memory_space<vmem>> -> memref<400x16xf32, #tpu.memory_space<vmem>>
          %dma_wait3A_34 = arith.constant 0 : i32
          %dma_wait3A_35 = tpu.memref_slice %arg11[%mul3A_17, %dma_wait3A_34] : memref<10240x16xf32, #tpu.memory_space<vmem_shared>> -> memref<400x16xf32, #tpu.memory_space<vmem_shared>>
          %dma_wait3A_36 = arith.constant 0 : i32
          %dma_wait3A_37 = arith.constant 0 : i32
          %dma_wait3A_38 = tpu.memref_slice %arg16[%dma_wait3A_36, %dma_wait3A_37] : memref<640x16xf32, #tpu.memory_space<vmem>> -> memref<400x16xf32, #tpu.memory_space<vmem>>
          %dma_wait3A_39 = arith.constant 0 : i32
          %dma_wait3A_40 = tpu.memref_slice %arg11[%mul3A_17, %dma_wait3A_39] : memref<10240x16xf32, #tpu.memory_space<vmem_shared>> -> memref<400x16xf32, #tpu.memory_space<vmem_shared>>
          tpu.wait_dma2 semaphore(%run_scoped3A : memref<!tpu.dma_semaphore, #tpu.memory_space<semaphore_mem>>) src(%dma_wait3A_40 : memref<400x16xf32, #tpu.memory_space<vmem_shared>>) dst(%dma_wait3A_38 : memref<400x16xf32, #tpu.memory_space<vmem>>)
          tpu.yield
        }) : () -> ()
        "tpu.region"() ({
          %run_scoped3A = tpu.sem_alloc : memref<!tpu.dma_semaphore, #tpu.memory_space<semaphore_mem>>
          %dma_start3A = arith.constant 0 : i32
          %dma_start3A_23 = arith.constant 0 : i32
          %dma_start3A_24 = tpu.memref_slice %arg16[%dma_start3A, %dma_start3A_23] : memref<640x16xf32, #tpu.memory_space<vmem>> -> memref<400x16xf32, #tpu.memory_space<vmem>>
          %dma_start3A_25 = arith.constant 0 : i32
          %dma_start3A_26 = tpu.memref_slice %arg9[%mul3A_17, %dma_start3A_25] : memref<10000x16xf32, #tpu.memory_space<hbm>> -> memref<400x16xf32, #tpu.memory_space<hbm>>
          %dma_start3A_27 = arith.constant 0 : i32
          %dma_start3A_28 = tpu.memref_slice %arg9[%mul3A_17, %dma_start3A_27] : memref<10000x16xf32, #tpu.memory_space<hbm>> -> memref<400x16xf32, #tpu.memory_space<hbm>>
          %dma_start3A_29 = arith.constant 0 : i32
          %dma_start3A_30 = arith.constant 0 : i32
          %dma_start3A_31 = tpu.memref_slice %arg16[%dma_start3A_29, %dma_start3A_30] : memref<640x16xf32, #tpu.memory_space<vmem>> -> memref<400x16xf32, #tpu.memory_space<vmem>>
          tpu.enqueue_dma source(%dma_start3A_31 : memref<400x16xf32, #tpu.memory_space<vmem>>) target(%dma_start3A_28 : memref<400x16xf32, #tpu.memory_space<hbm>>) target_semaphore(%run_scoped3A : memref<!tpu.dma_semaphore, #tpu.memory_space<semaphore_mem>>)
          %dma_wait3A = arith.constant 0 : i32
          %dma_wait3A_32 = arith.constant 0 : i32
          %dma_wait3A_33 = tpu.memref_slice %arg16[%dma_wait3A, %dma_wait3A_32] : memref<640x16xf32, #tpu.memory_space<vmem>> -> memref<400x16xf32, #tpu.memory_space<vmem>>
          %dma_wait3A_34 = arith.constant 0 : i32
          %dma_wait3A_35 = tpu.memref_slice %arg9[%mul3A_17, %dma_wait3A_34] : memref<10000x16xf32, #tpu.memory_space<hbm>> -> memref<400x16xf32, #tpu.memory_space<hbm>>
          %dma_wait3A_36 = arith.constant 0 : i32
          %dma_wait3A_37 = tpu.memref_slice %arg9[%mul3A_17, %dma_wait3A_36] : memref<10000x16xf32, #tpu.memory_space<hbm>> -> memref<400x16xf32, #tpu.memory_space<hbm>>
          %dma_wait3A_38 = arith.constant 0 : i32
          %dma_wait3A_39 = arith.constant 0 : i32
          %dma_wait3A_40 = tpu.memref_slice %arg16[%dma_wait3A_38, %dma_wait3A_39] : memref<640x16xf32, #tpu.memory_space<vmem>> -> memref<400x16xf32, #tpu.memory_space<vmem>>
          tpu.wait_dma2 semaphore(%run_scoped3A : memref<!tpu.dma_semaphore, #tpu.memory_space<semaphore_mem>>) src(%dma_wait3A_40 : memref<400x16xf32, #tpu.memory_space<vmem>>) dst(%dma_wait3A_37 : memref<400x16xf32, #tpu.memory_space<hbm>>)
          tpu.yield
        }) : () -> ()
      } else {
      }
    } else {
    }
    return
  }
}

module attributes {stable_mosaic.version = 14 : i64} {
  func.func @_l1_body(%arg0: i32, %arg1: memref<2x1000x64xf32, #tpu.memory_space<vmem>>, %arg2: memref<1000x16xf32, #tpu.memory_space<vmem>>, %arg3: memref<1000x128xf32, #tpu.memory_space<vmem>>, %arg4: memref<128x256xf32, #tpu.memory_space<vmem>>, %arg5: memref<1x256xf32, #tpu.memory_space<vmem>>, %arg6: memref<128x256xf32, #tpu.memory_space<vmem>>, %arg7: memref<2x1000x64xf32, #tpu.memory_space<vmem>>, %arg8: memref<2x1000x64xf32, #tpu.memory_space<vmem>>) attributes {dimension_semantics = [#tpu.dimension_semantics<arbitrary>], iteration_bounds = array<i64: 10>, scalar_prefetch = 0 : i64, scratch_operands = 0 : i64, tpu.core_type = #tpu.core_type<tc>, window_params = [{transform_indices = @transform_0, window_bounds = array<i64: 2, 1000, 64>}, {transform_indices = @transform_1, window_bounds = array<i64: 1000, 16>}, {transform_indices = @transform_2, window_bounds = array<i64: 1000, 128>}, {pipeline_mode = #tpu.pipeline_mode<synchronous>, transform_indices = @transform_3, window_bounds = array<i64: 128, 256>}, {pipeline_mode = #tpu.pipeline_mode<synchronous>, transform_indices = @transform_4, window_bounds = array<i64: 1, 256>}, {pipeline_mode = #tpu.pipeline_mode<synchronous>, transform_indices = @transform_5, window_bounds = array<i64: 128, 256>}, {transform_indices = @transform_6, window_bounds = array<i64: 2, 1000, 64>}, {transform_indices = @transform_7, window_bounds = array<i64: 2, 1000, 64>}]} {
    %get3A = arith.constant 0 : index
    %get3A_0 = arith.constant 0 : index
    %get3A_1 = vector.load %arg2[%get3A, %get3A_0] : memref<1000x16xf32, #tpu.memory_space<vmem>>, vector<1000x1xf32>
    %max3A = arith.constant 1.000000e+00 : f32
    %max3A_2 = vector.broadcast %max3A : f32 to vector<1000x1xf32>
    %max3A_3 = arith.maximumf %get3A_1, %max3A_2 : vector<1000x1xf32>
    %get3A_4 = arith.constant 0 : index
    %get3A_5 = arith.constant 0 : index
    %get3A_6 = arith.constant 0 : index
    %get3A_7 = vector.load %arg1[%get3A_4, %get3A_5, %get3A_6] : memref<2x1000x64xf32, #tpu.memory_space<vmem>>, vector<1x1000x64xf32>
    %get3A_8 = vector.shape_cast %get3A_7 : vector<1x1000x64xf32> to vector<1000x64xf32>
    %div3A = vector.broadcast %max3A_3 : vector<1000x1xf32> to vector<1000x64xf32>
    %div3A_9 = arith.divf %get3A_8, %div3A : vector<1000x64xf32>
    %get3A_10 = arith.constant 1 : index
    %get3A_11 = arith.constant 0 : index
    %get3A_12 = arith.constant 0 : index
    %get3A_13 = vector.load %arg1[%get3A_10, %get3A_11, %get3A_12] : memref<2x1000x64xf32, #tpu.memory_space<vmem>>, vector<1x1000x64xf32>
    %get3A_14 = vector.shape_cast %get3A_13 : vector<1x1000x64xf32> to vector<1000x64xf32>
    %div3A_15 = vector.broadcast %max3A_3 : vector<1000x1xf32> to vector<1000x64xf32>
    %div3A_16 = arith.divf %get3A_14, %div3A_15 : vector<1000x64xf32>
    %get3A_17 = arith.constant 0 : index
    %get3A_18 = arith.constant 0 : index
    %get3A_19 = vector.load %arg4[%get3A_17, %get3A_18] : memref<128x256xf32, #tpu.memory_space<vmem>>, vector<64x256xf32>
    %dot_general3A = arith.constant dense<0.000000e+00> : vector<1000x256xf32>
    %dot_general3A_20 = tpu.matmul %div3A_9, %get3A_19, %dot_general3A {dimension_numbers = #tpu.dot_dimension_numbers<[1], [0], [0], [1], [0, 0, 1, 1], [], []>, transpose_lhs_hint = false} : vector<1000x64xf32>, vector<64x256xf32>, vector<1000x256xf32> -> vector<1000x256xf32>
    %get3A_21 = arith.constant 64 : index
    %get3A_22 = arith.constant 0 : index
    %get3A_23 = vector.load %arg4[%get3A_21, %get3A_22] : memref<128x256xf32, #tpu.memory_space<vmem>>, vector<64x256xf32>
    %dot_general3A_24 = arith.constant dense<0.000000e+00> : vector<1000x256xf32>
    %dot_general3A_25 = tpu.matmul %div3A_16, %get3A_23, %dot_general3A_24 {dimension_numbers = #tpu.dot_dimension_numbers<[1], [0], [0], [1], [0, 0, 1, 1], [], []>, transpose_lhs_hint = false} : vector<1000x64xf32>, vector<64x256xf32>, vector<1000x256xf32> -> vector<1000x256xf32>
    %add3A = arith.addf %dot_general3A_20, %dot_general3A_25 : vector<1000x256xf32>
    %get3A_26 = arith.constant 0 : index
    %get3A_27 = arith.constant 0 : index
    %get3A_28 = vector.load %arg3[%get3A_26, %get3A_27] : memref<1000x128xf32, #tpu.memory_space<vmem>>, vector<1000x128xf32>
    %get3A_29 = arith.constant 0 : index
    %get3A_30 = arith.constant 0 : index
    %get3A_31 = vector.load %arg6[%get3A_29, %get3A_30] : memref<128x256xf32, #tpu.memory_space<vmem>>, vector<128x256xf32>
    %dot_general3A_32 = arith.constant dense<0.000000e+00> : vector<1000x256xf32>
    %dot_general3A_33 = tpu.matmul %get3A_28, %get3A_31, %dot_general3A_32 {dimension_numbers = #tpu.dot_dimension_numbers<[1], [0], [0], [1], [0, 0, 1, 1], [], []>, transpose_lhs_hint = false} : vector<1000x128xf32>, vector<128x256xf32>, vector<1000x256xf32> -> vector<1000x256xf32>
    %add3A_34 = arith.addf %add3A, %dot_general3A_33 : vector<1000x256xf32>
    %get3A_35 = arith.constant 0 : index
    %get3A_36 = arith.constant 0 : index
    %get3A_37 = vector.load %arg5[%get3A_35, %get3A_36] : memref<1x256xf32, #tpu.memory_space<vmem>>, vector<1x256xf32>
    %add3A_38 = vector.broadcast %get3A_37 : vector<1x256xf32> to vector<1000x256xf32>
    %add3A_39 = arith.addf %add3A_34, %add3A_38 : vector<1000x256xf32>
    %gt3A = arith.constant 0.000000e+00 : f32
    %gt3A_40 = vector.broadcast %gt3A : f32 to vector<1000x256xf32>
    %gt3A_41 = arith.cmpf ogt, %add3A_39, %gt3A_40 : vector<1000x256xf32>
    %exp3A = math.exp %add3A_39 : vector<1000x256xf32>
    %sub3A = arith.constant 1.000000e+00 : f32
    %sub3A_42 = vector.broadcast %sub3A : f32 to vector<1000x256xf32>
    %sub3A_43 = arith.subf %exp3A, %sub3A_42 : vector<1000x256xf32>
    %select_n3A = arith.select %gt3A_41, %add3A_39, %sub3A_43 : vector<1000x256xi1>, vector<1000x256xf32>
    %slice3A = vector.extract_strided_slice %select_n3A {offsets = [0, 0], sizes = [1000, 64], strides = [1, 1]} : vector<1000x256xf32> to vector<1000x64xf32>
    %swap3A = arith.constant 0 : index
    %swap3A_44 = arith.constant 0 : index
    %swap3A_45 = arith.constant 0 : index
    %swap3A_46 = vector.load %arg7[%swap3A, %swap3A_44, %swap3A_45] : memref<2x1000x64xf32, #tpu.memory_space<vmem>>, vector<1x1000x64xf32>
    %swap3A_47 = vector.shape_cast %swap3A_46 : vector<1x1000x64xf32> to vector<1000x64xf32>
    %swap3A_48 = vector.shape_cast %slice3A : vector<1000x64xf32> to vector<1x1000x64xf32>
    tpu.vector_store %arg7[%swap3A, %swap3A_44, %swap3A_45], %swap3A_48 {strides = array<i32>} : memref<2x1000x64xf32, #tpu.memory_space<vmem>>, vector<1x1000x64xf32>,
    %slice3A_49 = vector.extract_strided_slice %select_n3A {offsets = [0, 64], sizes = [1000, 64], strides = [1, 1]} : vector<1000x256xf32> to vector<1000x64xf32>
    %swap3A_50 = arith.constant 1 : index
    %swap3A_51 = arith.constant 0 : index
    %swap3A_52 = arith.constant 0 : index
    %swap3A_53 = vector.load %arg7[%swap3A_50, %swap3A_51, %swap3A_52] : memref<2x1000x64xf32, #tpu.memory_space<vmem>>, vector<1x1000x64xf32>
    %swap3A_54 = vector.shape_cast %swap3A_53 : vector<1x1000x64xf32> to vector<1000x64xf32>
    %swap3A_55 = vector.shape_cast %slice3A_49 : vector<1000x64xf32> to vector<1x1000x64xf32>
    tpu.vector_store %arg7[%swap3A_50, %swap3A_51, %swap3A_52], %swap3A_55 {strides = array<i32>} : memref<2x1000x64xf32, #tpu.memory_space<vmem>>, vector<1x1000x64xf32>,
    %slice3A_56 = vector.extract_strided_slice %select_n3A {offsets = [0, 128], sizes = [1000, 64], strides = [1, 1]} : vector<1000x256xf32> to vector<1000x64xf32>
    %swap3A_57 = arith.constant 0 : index
    %swap3A_58 = arith.constant 0 : index
    %swap3A_59 = arith.constant 0 : index
    %swap3A_60 = vector.load %arg8[%swap3A_57, %swap3A_58, %swap3A_59] : memref<2x1000x64xf32, #tpu.memory_space<vmem>>, vector<1x1000x64xf32>
    %swap3A_61 = vector.shape_cast %swap3A_60 : vector<1x1000x64xf32> to vector<1000x64xf32>
    %swap3A_62 = vector.shape_cast %slice3A_56 : vector<1000x64xf32> to vector<1x1000x64xf32>
    tpu.vector_store %arg8[%swap3A_57, %swap3A_58, %swap3A_59], %swap3A_62 {strides = array<i32>} : memref<2x1000x64xf32, #tpu.memory_space<vmem>>, vector<1x1000x64xf32>,
    %slice3A_63 = vector.extract_strided_slice %select_n3A {offsets = [0, 192], sizes = [1000, 64], strides = [1, 1]} : vector<1000x256xf32> to vector<1000x64xf32>
    %swap3A_64 = arith.constant 1 : index
    %swap3A_65 = arith.constant 0 : index
    %swap3A_66 = arith.constant 0 : index
    %swap3A_67 = vector.load %arg8[%swap3A_64, %swap3A_65, %swap3A_66] : memref<2x1000x64xf32, #tpu.memory_space<vmem>>, vector<1x1000x64xf32>
    %swap3A_68 = vector.shape_cast %swap3A_67 : vector<1x1000x64xf32> to vector<1000x64xf32>
    %swap3A_69 = vector.shape_cast %slice3A_63 : vector<1000x64xf32> to vector<1x1000x64xf32>
    tpu.vector_store %arg8[%swap3A_64, %swap3A_65, %swap3A_66], %swap3A_69 {strides = array<i32>} : memref<2x1000x64xf32, #tpu.memory_space<vmem>>, vector<1x1000x64xf32>,
    return
  }
  func.func @transform_0(%arg0: i32) -> (i32, i32, i32) {
    %c0_i32 = arith.constant 0 : i32
    %c0_i32_0 = arith.constant 0 : i32
    %c0_i32_1 = arith.constant 0 : i32
    return %c0_i32, %arg0, %c0_i32_0 : i32, i32, i32
  }
  func.func @transform_1(%arg0: i32) -> (i32, i32) {
    %c0_i32 = arith.constant 0 : i32
    %c0_i32_0 = arith.constant 0 : i32
    return %arg0, %c0_i32 : i32, i32
  }
  func.func @transform_2(%arg0: i32) -> (i32, i32) {
    %c0_i32 = arith.constant 0 : i32
    %c0_i32_0 = arith.constant 0 : i32
    return %arg0, %c0_i32 : i32, i32
  }
  func.func @transform_3(%arg0: i32) -> (i32, i32) {
    %c0_i32 = arith.constant 0 : i32
    %c0_i32_0 = arith.constant 0 : i32
    %c0_i32_1 = arith.constant 0 : i32
    return %c0_i32, %c0_i32_0 : i32, i32
  }
  func.func @transform_4(%arg0: i32) -> (i32, i32) {
    %c0_i32 = arith.constant 0 : i32
    %c0_i32_0 = arith.constant 0 : i32
    %c0_i32_1 = arith.constant 0 : i32
    return %c0_i32, %c0_i32_0 : i32, i32
  }
  func.func @transform_5(%arg0: i32) -> (i32, i32) {
    %c0_i32 = arith.constant 0 : i32
    %c0_i32_0 = arith.constant 0 : i32
    %c0_i32_1 = arith.constant 0 : i32
    return %c0_i32, %c0_i32_0 : i32, i32
  }
  func.func @transform_6(%arg0: i32) -> (i32, i32, i32) {
    %c0_i32 = arith.constant 0 : i32
    %c0_i32_0 = arith.constant 0 : i32
    %c0_i32_1 = arith.constant 0 : i32
    return %c0_i32, %arg0, %c0_i32_0 : i32, i32, i32
  }
  func.func @transform_7(%arg0: i32) -> (i32, i32, i32) {
    %c0_i32 = arith.constant 0 : i32
    %c0_i32_0 = arith.constant 0 : i32
    %c0_i32_1 = arith.constant 0 : i32
    return %c0_i32, %arg0, %c0_i32_0 : i32, i32, i32
  }
}

module attributes {stable_mosaic.version = 14 : i64} {
  func.func @_l23_body(%arg0: i32, %arg1: memref<2x1000x64xf32, #tpu.memory_space<vmem>>, %arg2: memref<2x1000x64xf32, #tpu.memory_space<vmem>>, %arg3: memref<1000x16xf32, #tpu.memory_space<vmem>>, %arg4: memref<2x1000x64xf32, #tpu.memory_space<vmem>>, %arg5: memref<2x1000x64xf32, #tpu.memory_space<vmem>>, %arg6: memref<256x256xf32, #tpu.memory_space<vmem>>, %arg7: memref<1x256xf32, #tpu.memory_space<vmem>>, %arg8: memref<256x256xf32, #tpu.memory_space<vmem>>, %arg9: memref<256x128xf32, #tpu.memory_space<vmem>>, %arg10: memref<1x128xf32, #tpu.memory_space<vmem>>, %arg11: memref<256x128xf32, #tpu.memory_space<vmem>>, %arg12: memref<2x1000x64xf32, #tpu.memory_space<vmem>>, %arg13: memref<1000x128xf32, #tpu.memory_space<vmem>>) attributes {dimension_semantics = [#tpu.dimension_semantics<arbitrary>], iteration_bounds = array<i64: 10>, scalar_prefetch = 0 : i64, scratch_operands = 0 : i64, tpu.core_type = #tpu.core_type<tc>, window_params = [{transform_indices = @transform_0, window_bounds = array<i64: 2, 1000, 64>}, {transform_indices = @transform_1, window_bounds = array<i64: 2, 1000, 64>}, {transform_indices = @transform_2, window_bounds = array<i64: 1000, 16>}, {transform_indices = @transform_3, window_bounds = array<i64: 2, 1000, 64>}, {transform_indices = @transform_4, window_bounds = array<i64: 2, 1000, 64>}, {pipeline_mode = #tpu.pipeline_mode<synchronous>, transform_indices = @transform_5, window_bounds = array<i64: 256, 256>}, {pipeline_mode = #tpu.pipeline_mode<synchronous>, transform_indices = @transform_6, window_bounds = array<i64: 1, 256>}, {pipeline_mode = #tpu.pipeline_mode<synchronous>, transform_indices = @transform_7, window_bounds = array<i64: 256, 256>}, {pipeline_mode = #tpu.pipeline_mode<synchronous>, transform_indices = @transform_8, window_bounds = array<i64: 256, 128>}, {pipeline_mode = #tpu.pipeline_mode<synchronous>, transform_indices = @transform_9, window_bounds = array<i64: 1, 128>}, {pipeline_mode = #tpu.pipeline_mode<synchronous>, transform_indices = @transform_10, window_bounds = array<i64: 256, 128>}, {transform_indices = @transform_11, window_bounds = array<i64: 2, 1000, 64>}, {transform_indices = @transform_12, window_bounds = array<i64: 1000, 128>}]} {
    %get3A = arith.constant 0 : index
    %get3A_0 = arith.constant 0 : index
    %get3A_1 = vector.load %arg3[%get3A, %get3A_0] : memref<1000x16xf32, #tpu.memory_space<vmem>>, vector<1000x1xf32>
    %max3A = arith.constant 1.000000e+00 : f32
    %max3A_2 = vector.broadcast %max3A : f32 to vector<1000x1xf32>
    %max3A_3 = arith.maximumf %get3A_1, %max3A_2 : vector<1000x1xf32>
    %get3A_4 = arith.constant 0 : index
    %get3A_5 = arith.constant 0 : index
    %get3A_6 = vector.load %arg7[%get3A_4, %get3A_5] : memref<1x256xf32, #tpu.memory_space<vmem>>, vector<1x256xf32>
    %get3A_7 = arith.constant 0 : index
    %get3A_8 = arith.constant 0 : index
    %get3A_9 = arith.constant 0 : index
    %get3A_10 = vector.load %arg1[%get3A_7, %get3A_8, %get3A_9] : memref<2x1000x64xf32, #tpu.memory_space<vmem>>, vector<1x1000x64xf32>
    %get3A_11 = vector.shape_cast %get3A_10 : vector<1x1000x64xf32> to vector<1000x64xf32>
    %div3A = vector.broadcast %max3A_3 : vector<1000x1xf32> to vector<1000x64xf32>
    %div3A_12 = arith.divf %get3A_11, %div3A : vector<1000x64xf32>
    %get3A_13 = arith.constant 1 : index
    %get3A_14 = arith.constant 0 : index
    %get3A_15 = arith.constant 0 : index
    %get3A_16 = vector.load %arg1[%get3A_13, %get3A_14, %get3A_15] : memref<2x1000x64xf32, #tpu.memory_space<vmem>>, vector<1x1000x64xf32>
    %get3A_17 = vector.shape_cast %get3A_16 : vector<1x1000x64xf32> to vector<1000x64xf32>
    %div3A_18 = vector.broadcast %max3A_3 : vector<1000x1xf32> to vector<1000x64xf32>
    %div3A_19 = arith.divf %get3A_17, %div3A_18 : vector<1000x64xf32>
    %get3A_20 = arith.constant 0 : index
    %get3A_21 = arith.constant 0 : index
    %get3A_22 = arith.constant 0 : index
    %get3A_23 = vector.load %arg2[%get3A_20, %get3A_21, %get3A_22] : memref<2x1000x64xf32, #tpu.memory_space<vmem>>, vector<1x1000x64xf32>
    %get3A_24 = vector.shape_cast %get3A_23 : vector<1x1000x64xf32> to vector<1000x64xf32>
    %div3A_25 = vector.broadcast %max3A_3 : vector<1000x1xf32> to vector<1000x64xf32>
    %div3A_26 = arith.divf %get3A_24, %div3A_25 : vector<1000x64xf32>
    %get3A_27 = arith.constant 1 : index
    %get3A_28 = arith.constant 0 : index
    %get3A_29 = arith.constant 0 : index
    %get3A_30 = vector.load %arg2[%get3A_27, %get3A_28, %get3A_29] : memref<2x1000x64xf32, #tpu.memory_space<vmem>>, vector<1x1000x64xf32>
    %get3A_31 = vector.shape_cast %get3A_30 : vector<1x1000x64xf32> to vector<1000x64xf32>
    %div3A_32 = vector.broadcast %max3A_3 : vector<1000x1xf32> to vector<1000x64xf32>
    %div3A_33 = arith.divf %get3A_31, %div3A_32 : vector<1000x64xf32>
    %get3A_34 = arith.constant 0 : index
    %get3A_35 = arith.constant 0 : index
    %get3A_36 = vector.load %arg6[%get3A_34, %get3A_35] : memref<256x256xf32, #tpu.memory_space<vmem>>, vector<64x256xf32>
    %dot_general3A = arith.constant dense<0.000000e+00> : vector<1000x256xf32>
    %dot_general3A_37 = tpu.matmul %div3A_12, %get3A_36, %dot_general3A {dimension_numbers = #tpu.dot_dimension_numbers<[1], [0], [0], [1], [0, 0, 1, 1], [], []>, transpose_lhs_hint = false} : vector<1000x64xf32>, vector<64x256xf32>, vector<1000x256xf32> -> vector<1000x256xf32>
    %add3A = vector.broadcast %get3A_6 : vector<1x256xf32> to vector<1000x256xf32>
    %add3A_38 = arith.addf %add3A, %dot_general3A_37 : vector<1000x256xf32>
    %get3A_39 = arith.constant 64 : index
    %get3A_40 = arith.constant 0 : index
    %get3A_41 = vector.load %arg6[%get3A_39, %get3A_40] : memref<256x256xf32, #tpu.memory_space<vmem>>, vector<64x256xf32>
    %dot_general3A_42 = arith.constant dense<0.000000e+00> : vector<1000x256xf32>
    %dot_general3A_43 = tpu.matmul %div3A_19, %get3A_41, %dot_general3A_42 {dimension_numbers = #tpu.dot_dimension_numbers<[1], [0], [0], [1], [0, 0, 1, 1], [], []>, transpose_lhs_hint = false} : vector<1000x64xf32>, vector<64x256xf32>, vector<1000x256xf32> -> vector<1000x256xf32>
    %add3A_44 = arith.addf %add3A_38, %dot_general3A_43 : vector<1000x256xf32>
    %get3A_45 = arith.constant 128 : index
    %get3A_46 = arith.constant 0 : index
    %get3A_47 = vector.load %arg6[%get3A_45, %get3A_46] : memref<256x256xf32, #tpu.memory_space<vmem>>, vector<64x256xf32>
    %dot_general3A_48 = arith.constant dense<0.000000e+00> : vector<1000x256xf32>
    %dot_general3A_49 = tpu.matmul %div3A_26, %get3A_47, %dot_general3A_48 {dimension_numbers = #tpu.dot_dimension_numbers<[1], [0], [0], [1], [0, 0, 1, 1], [], []>, transpose_lhs_hint = false} : vector<1000x64xf32>, vector<64x256xf32>, vector<1000x256xf32> -> vector<1000x256xf32>
    %add3A_50 = arith.addf %add3A_44, %dot_general3A_49 : vector<1000x256xf32>
    %get3A_51 = arith.constant 192 : index
    %get3A_52 = arith.constant 0 : index
    %get3A_53 = vector.load %arg6[%get3A_51, %get3A_52] : memref<256x256xf32, #tpu.memory_space<vmem>>, vector<64x256xf32>
    %dot_general3A_54 = arith.constant dense<0.000000e+00> : vector<1000x256xf32>
    %dot_general3A_55 = tpu.matmul %div3A_33, %get3A_53, %dot_general3A_54 {dimension_numbers = #tpu.dot_dimension_numbers<[1], [0], [0], [1], [0, 0, 1, 1], [], []>, transpose_lhs_hint = false} : vector<1000x64xf32>, vector<64x256xf32>, vector<1000x256xf32> -> vector<1000x256xf32>
    %add3A_56 = arith.addf %add3A_50, %dot_general3A_55 : vector<1000x256xf32>
    %get3A_57 = arith.constant 0 : index
    %get3A_58 = arith.constant 0 : index
    %get3A_59 = arith.constant 0 : index
    %get3A_60 = vector.load %arg4[%get3A_57, %get3A_58, %get3A_59] : memref<2x1000x64xf32, #tpu.memory_space<vmem>>, vector<1x1000x64xf32>
    %get3A_61 = vector.shape_cast %get3A_60 : vector<1x1000x64xf32> to vector<1000x64xf32>
    %get3A_62 = arith.constant 1 : index
    %get3A_63 = arith.constant 0 : index
    %get3A_64 = arith.constant 0 : index
    %get3A_65 = vector.load %arg4[%get3A_62, %get3A_63, %get3A_64] : memref<2x1000x64xf32, #tpu.memory_space<vmem>>, vector<1x1000x64xf32>
    %get3A_66 = vector.shape_cast %get3A_65 : vector<1x1000x64xf32> to vector<1000x64xf32>
    %get3A_67 = arith.constant 0 : index
    %get3A_68 = arith.constant 0 : index
    %get3A_69 = arith.constant 0 : index
    %get3A_70 = vector.load %arg5[%get3A_67, %get3A_68, %get3A_69] : memref<2x1000x64xf32, #tpu.memory_space<vmem>>, vector<1x1000x64xf32>
    %get3A_71 = vector.shape_cast %get3A_70 : vector<1x1000x64xf32> to vector<1000x64xf32>
    %get3A_72 = arith.constant 1 : index
    %get3A_73 = arith.constant 0 : index
    %get3A_74 = arith.constant 0 : index
    %get3A_75 = vector.load %arg5[%get3A_72, %get3A_73, %get3A_74] : memref<2x1000x64xf32, #tpu.memory_space<vmem>>, vector<1x1000x64xf32>
    %get3A_76 = vector.shape_cast %get3A_75 : vector<1x1000x64xf32> to vector<1000x64xf32>
    %get3A_77 = arith.constant 0 : index
    %get3A_78 = arith.constant 0 : index
    %get3A_79 = vector.load %arg8[%get3A_77, %get3A_78] : memref<256x256xf32, #tpu.memory_space<vmem>>, vector<64x256xf32>
    %dot_general3A_80 = arith.constant dense<0.000000e+00> : vector<1000x256xf32>
    %dot_general3A_81 = tpu.matmul %get3A_61, %get3A_79, %dot_general3A_80 {dimension_numbers = #tpu.dot_dimension_numbers<[1], [0], [0], [1], [0, 0, 1, 1], [], []>, transpose_lhs_hint = false} : vector<1000x64xf32>, vector<64x256xf32>, vector<1000x256xf32> -> vector<1000x256xf32>
    %add3A_82 = arith.addf %add3A_56, %dot_general3A_81 : vector<1000x256xf32>
    %get3A_83 = arith.constant 64 : index
    %get3A_84 = arith.constant 0 : index
    %get3A_85 = vector.load %arg8[%get3A_83, %get3A_84] : memref<256x256xf32, #tpu.memory_space<vmem>>, vector<64x256xf32>
    %dot_general3A_86 = arith.constant dense<0.000000e+00> : vector<1000x256xf32>
    %dot_general3A_87 = tpu.matmul %get3A_66, %get3A_85, %dot_general3A_86 {dimension_numbers = #tpu.dot_dimension_numbers<[1], [0], [0], [1], [0, 0, 1, 1], [], []>, transpose_lhs_hint = false} : vector<1000x64xf32>, vector<64x256xf32>, vector<1000x256xf32> -> vector<1000x256xf32>
    %add3A_88 = arith.addf %add3A_82, %dot_general3A_87 : vector<1000x256xf32>
    %get3A_89 = arith.constant 128 : index
    %get3A_90 = arith.constant 0 : index
    %get3A_91 = vector.load %arg8[%get3A_89, %get3A_90] : memref<256x256xf32, #tpu.memory_space<vmem>>, vector<64x256xf32>
    %dot_general3A_92 = arith.constant dense<0.000000e+00> : vector<1000x256xf32>
    %dot_general3A_93 = tpu.matmul %get3A_71, %get3A_91, %dot_general3A_92 {dimension_numbers = #tpu.dot_dimension_numbers<[1], [0], [0], [1], [0, 0, 1, 1], [], []>, transpose_lhs_hint = false} : vector<1000x64xf32>, vector<64x256xf32>, vector<1000x256xf32> -> vector<1000x256xf32>
    %add3A_94 = arith.addf %add3A_88, %dot_general3A_93 : vector<1000x256xf32>
    %get3A_95 = arith.constant 192 : index
    %get3A_96 = arith.constant 0 : index
    %get3A_97 = vector.load %arg8[%get3A_95, %get3A_96] : memref<256x256xf32, #tpu.memory_space<vmem>>, vector<64x256xf32>
    %dot_general3A_98 = arith.constant dense<0.000000e+00> : vector<1000x256xf32>
    %dot_general3A_99 = tpu.matmul %get3A_76, %get3A_97, %dot_general3A_98 {dimension_numbers = #tpu.dot_dimension_numbers<[1], [0], [0], [1], [0, 0, 1, 1], [], []>, transpose_lhs_hint = false} : vector<1000x64xf32>, vector<64x256xf32>, vector<1000x256xf32> -> vector<1000x256xf32>
    %add3A_100 = arith.addf %add3A_94, %dot_general3A_99 : vector<1000x256xf32>
    %gt3A = arith.constant 0.000000e+00 : f32
    %gt3A_101 = vector.broadcast %gt3A : f32 to vector<1000x256xf32>
    %gt3A_102 = arith.cmpf ogt, %add3A_100, %gt3A_101 : vector<1000x256xf32>
    %exp3A = math.exp %add3A_100 : vector<1000x256xf32>
    %sub3A = arith.constant 1.000000e+00 : f32
    %sub3A_103 = vector.broadcast %sub3A : f32 to vector<1000x256xf32>
    %sub3A_104 = arith.subf %exp3A, %sub3A_103 : vector<1000x256xf32>
    %select_n3A = arith.select %gt3A_102, %add3A_100, %sub3A_104 : vector<1000x256xi1>, vector<1000x256xf32>
    %get3A_105 = arith.constant 0 : index
    %get3A_106 = arith.constant 0 : index
    %get3A_107 = vector.load %arg9[%get3A_105, %get3A_106] : memref<256x128xf32, #tpu.memory_space<vmem>>, vector<256x128xf32>
    %dot_general3A_108 = arith.constant dense<0.000000e+00> : vector<1000x128xf32>
    %dot_general3A_109 = tpu.matmul %select_n3A, %get3A_107, %dot_general3A_108 {dimension_numbers = #tpu.dot_dimension_numbers<[1], [0], [0], [1], [0, 0, 1, 1], [], []>, transpose_lhs_hint = false} : vector<1000x256xf32>, vector<256x128xf32>, vector<1000x128xf32> -> vector<1000x128xf32>
    %slice3A = vector.extract_strided_slice %dot_general3A_109 {offsets = [0, 0], sizes = [1000, 64], strides = [1, 1]} : vector<1000x128xf32> to vector<1000x64xf32>
    %swap3A = arith.constant 0 : index
    %swap3A_110 = arith.constant 0 : index
    %swap3A_111 = arith.constant 0 : index
    %swap3A_112 = vector.load %arg12[%swap3A, %swap3A_110, %swap3A_111] : memref<2x1000x64xf32, #tpu.memory_space<vmem>>, vector<1x1000x64xf32>
    %swap3A_113 = vector.shape_cast %swap3A_112 : vector<1x1000x64xf32> to vector<1000x64xf32>
    %swap3A_114 = vector.shape_cast %slice3A : vector<1000x64xf32> to vector<1x1000x64xf32>
    tpu.vector_store %arg12[%swap3A, %swap3A_110, %swap3A_111], %swap3A_114 {strides = array<i32>} : memref<2x1000x64xf32, #tpu.memory_space<vmem>>, vector<1x1000x64xf32>,
    %slice3A_115 = vector.extract_strided_slice %dot_general3A_109 {offsets = [0, 64], sizes = [1000, 64], strides = [1, 1]} : vector<1000x128xf32> to vector<1000x64xf32>
    %swap3A_116 = arith.constant 1 : index
    %swap3A_117 = arith.constant 0 : index
    %swap3A_118 = arith.constant 0 : index
    %swap3A_119 = vector.load %arg12[%swap3A_116, %swap3A_117, %swap3A_118] : memref<2x1000x64xf32, #tpu.memory_space<vmem>>, vector<1x1000x64xf32>
    %swap3A_120 = vector.shape_cast %swap3A_119 : vector<1x1000x64xf32> to vector<1000x64xf32>
    %swap3A_121 = vector.shape_cast %slice3A_115 : vector<1000x64xf32> to vector<1x1000x64xf32>
    tpu.vector_store %arg12[%swap3A_116, %swap3A_117, %swap3A_118], %swap3A_121 {strides = array<i32>} : memref<2x1000x64xf32, #tpu.memory_space<vmem>>, vector<1x1000x64xf32>,
    %get3A_122 = arith.constant 0 : index
    %get3A_123 = arith.constant 0 : index
    %get3A_124 = vector.load %arg11[%get3A_122, %get3A_123] : memref<256x128xf32, #tpu.memory_space<vmem>>, vector<256x128xf32>
    %dot_general3A_125 = arith.constant dense<0.000000e+00> : vector<1000x128xf32>
    %dot_general3A_126 = tpu.matmul %select_n3A, %get3A_124, %dot_general3A_125 {dimension_numbers = #tpu.dot_dimension_numbers<[1], [0], [0], [1], [0, 0, 1, 1], [], []>, transpose_lhs_hint = false} : vector<1000x256xf32>, vector<256x128xf32>, vector<1000x128xf32> -> vector<1000x128xf32>
    %get3A_127 = arith.constant 0 : index
    %get3A_128 = arith.constant 0 : index
    %get3A_129 = vector.load %arg10[%get3A_127, %get3A_128] : memref<1x128xf32, #tpu.memory_space<vmem>>, vector<1x128xf32>
    %add3A_130 = vector.broadcast %get3A_129 : vector<1x128xf32> to vector<1000x128xf32>
    %add3A_131 = arith.addf %dot_general3A_126, %add3A_130 : vector<1000x128xf32>
    %swap3A_132 = arith.constant 0 : index
    %swap3A_133 = arith.constant 0 : index
    %swap3A_134 = vector.load %arg13[%swap3A_132, %swap3A_133] : memref<1000x128xf32, #tpu.memory_space<vmem>>, vector<1000x128xf32>
    tpu.vector_store %arg13[%swap3A_132, %swap3A_133], %add3A_131 {strides = array<i32>} : memref<1000x128xf32, #tpu.memory_space<vmem>>, vector<1000x128xf32>,
    return
  }
  func.func @transform_0(%arg0: i32) -> (i32, i32, i32) {
    %c0_i32 = arith.constant 0 : i32
    %c0_i32_0 = arith.constant 0 : i32
    %c0_i32_1 = arith.constant 0 : i32
    return %c0_i32, %arg0, %c0_i32_0 : i32, i32, i32
  }
  func.func @transform_1(%arg0: i32) -> (i32, i32, i32) {
    %c0_i32 = arith.constant 0 : i32
    %c0_i32_0 = arith.constant 0 : i32
    %c0_i32_1 = arith.constant 0 : i32
    return %c0_i32, %arg0, %c0_i32_0 : i32, i32, i32
  }
  func.func @transform_2(%arg0: i32) -> (i32, i32) {
    %c0_i32 = arith.constant 0 : i32
    %c0_i32_0 = arith.constant 0 : i32
    return %arg0, %c0_i32 : i32, i32
  }
  func.func @transform_3(%arg0: i32) -> (i32, i32, i32) {
    %c0_i32 = arith.constant 0 : i32
    %c0_i32_0 = arith.constant 0 : i32
    %c0_i32_1 = arith.constant 0 : i32
    return %c0_i32, %arg0, %c0_i32_0 : i32, i32, i32
  }
  func.func @transform_4(%arg0: i32) -> (i32, i32, i32) {
    %c0_i32 = arith.constant 0 : i32
    %c0_i32_0 = arith.constant 0 : i32
    %c0_i32_1 = arith.constant 0 : i32
    return %c0_i32, %arg0, %c0_i32_0 : i32, i32, i32
  }
  func.func @transform_5(%arg0: i32) -> (i32, i32) {
    %c0_i32 = arith.constant 0 : i32
    %c0_i32_0 = arith.constant 0 : i32
    %c0_i32_1 = arith.constant 0 : i32
    return %c0_i32, %c0_i32_0 : i32, i32
  }
  func.func @transform_6(%arg0: i32) -> (i32, i32) {
    %c0_i32 = arith.constant 0 : i32
    %c0_i32_0 = arith.constant 0 : i32
    %c0_i32_1 = arith.constant 0 : i32
    return %c0_i32, %c0_i32_0 : i32, i32
  }
  func.func @transform_7(%arg0: i32) -> (i32, i32) {
    %c0_i32 = arith.constant 0 : i32
    %c0_i32_0 = arith.constant 0 : i32
    %c0_i32_1 = arith.constant 0 : i32
    return %c0_i32, %c0_i32_0 : i32, i32
  }
  func.func @transform_8(%arg0: i32) -> (i32, i32) {
    %c0_i32 = arith.constant 0 : i32
    %c0_i32_0 = arith.constant 0 : i32
    %c0_i32_1 = arith.constant 0 : i32
    return %c0_i32, %c0_i32_0 : i32, i32
  }
  func.func @transform_9(%arg0: i32) -> (i32, i32) {
    %c0_i32 = arith.constant 0 : i32
    %c0_i32_0 = arith.constant 0 : i32
    %c0_i32_1 = arith.constant 0 : i32
    return %c0_i32, %c0_i32_0 : i32, i32
  }
  func.func @transform_10(%arg0: i32) -> (i32, i32) {
    %c0_i32 = arith.constant 0 : i32
    %c0_i32_0 = arith.constant 0 : i32
    %c0_i32_1 = arith.constant 0 : i32
    return %c0_i32, %c0_i32_0 : i32, i32
  }
  func.func @transform_11(%arg0: i32) -> (i32, i32, i32) {
    %c0_i32 = arith.constant 0 : i32
    %c0_i32_0 = arith.constant 0 : i32
    %c0_i32_1 = arith.constant 0 : i32
    return %c0_i32, %arg0, %c0_i32_0 : i32, i32, i32
  }
  func.func @transform_12(%arg0: i32) -> (i32, i32) {
    %c0_i32 = arith.constant 0 : i32
    %c0_i32_0 = arith.constant 0 : i32
    return %arg0, %c0_i32 : i32, i32
  }
}

module attributes {stable_mosaic.version = 14 : i64} {
  func.func @_l3_body(%arg0: i32, %arg1: memref<2x1000x64xf32, #tpu.memory_space<vmem>>, %arg2: memref<1000x16xf32, #tpu.memory_space<vmem>>, %arg3: memref<1000x128xf32, #tpu.memory_space<vmem>>, %arg4: memref<1000x128xf32, #tpu.memory_space<vmem>>) attributes {dimension_semantics = [#tpu.dimension_semantics<arbitrary>], iteration_bounds = array<i64: 10>, scalar_prefetch = 0 : i64, scratch_operands = 0 : i64, tpu.core_type = #tpu.core_type<tc>, window_params = [{transform_indices = @transform_0, window_bounds = array<i64: 2, 1000, 64>}, {transform_indices = @transform_1, window_bounds = array<i64: 1000, 16>}, {transform_indices = @transform_2, window_bounds = array<i64: 1000, 128>}, {transform_indices = @transform_3, window_bounds = array<i64: 1000, 128>}]} {
    %get3A = arith.constant 0 : index
    %get3A_0 = arith.constant 0 : index
    %get3A_1 = vector.load %arg2[%get3A, %get3A_0] : memref<1000x16xf32, #tpu.memory_space<vmem>>, vector<1000x1xf32>
    %max3A = arith.constant 1.000000e+00 : f32
    %max3A_2 = vector.broadcast %max3A : f32 to vector<1000x1xf32>
    %max3A_3 = arith.maximumf %get3A_1, %max3A_2 : vector<1000x1xf32>
    %get3A_4 = arith.constant 0 : index
    %get3A_5 = arith.constant 0 : index
    %get3A_6 = arith.constant 0 : index
    %get3A_7 = vector.load %arg1[%get3A_4, %get3A_5, %get3A_6] : memref<2x1000x64xf32, #tpu.memory_space<vmem>>, vector<1x1000x64xf32>
    %get3A_8 = vector.shape_cast %get3A_7 : vector<1x1000x64xf32> to vector<1000x64xf32>
    %get3A_9 = arith.constant 1 : index
    %get3A_10 = arith.constant 0 : index
    %get3A_11 = arith.constant 0 : index
    %get3A_12 = vector.load %arg1[%get3A_9, %get3A_10, %get3A_11] : memref<2x1000x64xf32, #tpu.memory_space<vmem>>, vector<1x1000x64xf32>
    %get3A_13 = vector.shape_cast %get3A_12 : vector<1x1000x64xf32> to vector<1000x64xf32>
    %concatenate3A = tpu.concatenate %get3A_8, %get3A_13 in 1 : vector<1000x64xf32>, vector<1000x64xf32> -> vector<1000x128xf32>
    %div3A = vector.broadcast %max3A_3 : vector<1000x1xf32> to vector<1000x128xf32>
    %div3A_14 = arith.divf %concatenate3A, %div3A : vector<1000x128xf32>
    %get3A_15 = arith.constant 0 : index
    %get3A_16 = arith.constant 0 : index
    %get3A_17 = vector.load %arg3[%get3A_15, %get3A_16] : memref<1000x128xf32, #tpu.memory_space<vmem>>, vector<1000x128xf32>
    %add3A = arith.addf %div3A_14, %get3A_17 : vector<1000x128xf32>
    %gt3A = arith.constant 0.000000e+00 : f32
    %gt3A_18 = vector.broadcast %gt3A : f32 to vector<1000x128xf32>
    %gt3A_19 = arith.cmpf ogt, %add3A, %gt3A_18 : vector<1000x128xf32>
    %exp3A = math.exp %add3A : vector<1000x128xf32>
    %sub3A = arith.constant 1.000000e+00 : f32
    %sub3A_20 = vector.broadcast %sub3A : f32 to vector<1000x128xf32>
    %sub3A_21 = arith.subf %exp3A, %sub3A_20 : vector<1000x128xf32>
    %select_n3A = arith.select %gt3A_19, %add3A, %sub3A_21 : vector<1000x128xi1>, vector<1000x128xf32>
    %reduce_max3A = arith.constant dense<0xFF800000> : vector<1000xf32>
    %reduce_max3A_22 = vector.multi_reduction <maximumf>, %select_n3A, %reduce_max3A [1] : vector<1000x128xf32> to vector<1000xf32>
    %broadcast_in_dim3A = vector.shape_cast %reduce_max3A_22 : vector<1000xf32> to vector<1000x1xf32>
    %sub3A_23 = vector.broadcast %broadcast_in_dim3A : vector<1000x1xf32> to vector<1000x128xf32>
    %sub3A_24 = arith.subf %select_n3A, %sub3A_23 : vector<1000x128xf32>
    %exp3A_25 = math.exp %sub3A_24 : vector<1000x128xf32>
    %reduce_sum3A = arith.constant dense<0.000000e+00> : vector<1000xf32>
    %reduce_sum3A_26 = vector.multi_reduction <add>, %exp3A_25, %reduce_sum3A [1] : vector<1000x128xf32> to vector<1000xf32>
    %broadcast_in_dim3A_27 = vector.shape_cast %reduce_sum3A_26 : vector<1000xf32> to vector<1000x1xf32>
    %log3A = math.log %broadcast_in_dim3A_27 : vector<1000x1xf32>
    %add3A_28 = arith.addf %broadcast_in_dim3A, %log3A : vector<1000x1xf32>
    %sub3A_29 = vector.broadcast %add3A_28 : vector<1000x1xf32> to vector<1000x128xf32>
    %sub3A_30 = arith.subf %select_n3A, %sub3A_29 : vector<1000x128xf32>
    %swap3A = arith.constant 0 : index
    %swap3A_31 = arith.constant 0 : index
    %swap3A_32 = vector.load %arg4[%swap3A, %swap3A_31] : memref<1000x128xf32, #tpu.memory_space<vmem>>, vector<1000x128xf32>
    tpu.vector_store %arg4[%swap3A, %swap3A_31], %sub3A_30 {strides = array<i32>} : memref<1000x128xf32, #tpu.memory_space<vmem>>, vector<1000x128xf32>,
    return
  }
  func.func @transform_0(%arg0: i32) -> (i32, i32, i32) {
    %c0_i32 = arith.constant 0 : i32
    %c0_i32_0 = arith.constant 0 : i32
    %c0_i32_1 = arith.constant 0 : i32
    return %c0_i32, %arg0, %c0_i32_0 : i32, i32, i32
  }
  func.func @transform_1(%arg0: i32) -> (i32, i32) {
    %c0_i32 = arith.constant 0 : i32
    %c0_i32_0 = arith.constant 0 : i32
    return %arg0, %c0_i32 : i32, i32
  }
  func.func @transform_2(%arg0: i32) -> (i32, i32) {
    %c0_i32 = arith.constant 0 : i32
    %c0_i32_0 = arith.constant 0 : i32
    return %arg0, %c0_i32 : i32, i32
  }
  func.func @transform_3(%arg0: i32) -> (i32, i32) {
    %c0_i32 = arith.constant 0 : i32
    %c0_i32_0 = arith.constant 0 : i32
    return %arg0, %c0_i32 : i32, i32
  }
}

</mosaic_0001>

<sc_bundles>
// kernel: closed_call.32.cloned.1.call-start
scs
__scs_entry_jumppad:
0x0: {  	(pc) =	sbr.rel $0x88, $3  }
0x1: {  	(tag) =	ssettag $0x0;
	lr =	simm.s32 $0x1  }
0x2: {  	[smem:$0x3F96] =	sst lr;
	_ =	strace $0xD0000000  }
0x3: {  	_ = 	snop  }
0x4: {  	_ = 	snop  }
0x5: {  	_ = 	snop  }
0x6: {  	_ = 	snop  }
0x7: {  	_ = 	snop  }
__scs_overlays_trampoline_lowered:
0x8: {  	[smem:$0x3FA5] =	sst s0  }
0x9: {  	[smem:$0x3FA6] =	sst s1  }
0xa: {  	[smem:$0x3FA7] =	sst s2  }
0xb: {  	[smem:$0x3FA8] =	sst s3  }
0xc: {  	[smem:$0x3FA9] =	sst s4  }
0xd: {  	[smem:$0x3FAA] =	sst s5  }
0xe: {  	[smem:$0x3FAB] =	sst s6  }
0xf: {  	[smem:$0x3FAC] =	sst s7  }
0x10: {  	[smem:$0x3FAD] =	sst s8  }
0x11: {  	[smem:$0x3FAE] =	sst s9;
	s0 =	simm.s32 @!p0 $0x0  }
0x12: {  	s1 =	sld [smem:$0x3F94];
	s0 =	simm.s32 @p0 $0x1  }
0x13: {  	[smem:$0x3FAF] =	sst s0;
	s0 =	simm.s32 @!p1 $0x0  }
0x14: {  	s2 =	sld [smem:$0x3F93];
	s0 =	simm.s32 @p1 $0x1  }
0x15: {  	[smem:$0x3FB0] =	sst s0;
	s0 =	simm.s32 @!p2 $0x0  }
0x16: {  	s3 =	sld [smem:$0x3FDB];
	s0 =	simm.s32 @p2 $0x1  }
0x17: {  	s4 =	simm.s32 $0x1BF5;
	[smem:$0x3FB2] =	sst s0  }
0x18: {  	s0 =	sld [smem:$0x3F95];
	_ =	swait.ge [sflag:s4], $0x0  }
0x19: {  	s7 =	sld [smem:$0x3F96]  }
0x1a: {  	s8 =	sadd.s32 $0xFFFFE003, lr  }
0x1b: {  	s9 =	sadd.s32 $0xFFFFFEF7, lr;
	s5 =	simm.s32 $0xFFFFFFFF;
	p2 =	slt.u32 s8, $0xFFFFF086  }
0x1c: {  	p1 =	slt.u32 s9, $0xF7A;
	s5 =	simm.s32 @!p2 $0x0  }
0x1d: {  	s5 =	simm.s32 @p1 $0x1;
	p0 =	seq.s32 s7, s2  }
0x1e: {  	s7 =	smul.u32 @!p0 $0xF7A, s2;
	p2 =	seq.s32 @!p0 s5, $0x0  }
0x1f: {  	s9 =	smul.u32 $0xF7A, s1;
	s8 =	simm.s32 @!p0 $0x1BF5;
	p2 =	por !p2, p0  }
0x20: {  	[sflag:s8] =	ssyncset.s32 @!p0 $0xFFFFF086;
	s6 =	sadd.s32 @!p0 s3, s7;
	s7 =	simm.s32 @!p0 $0x108  }
0x21: {  	s3 =	sadd.s32 s3, s9;
	s6 =	sadd.s32 @!p0 $0x88, s6;
	s7 =	simm.s32 @p2 $0x1082  }
0x22: {  	[simem:s7], [sflag:s8] =	dma.local @!p0 [hbm:s6], $0xF7A  }
0x23: {  	s9 =	sor.u32 $0xD0000000, s2;
	s6 =	simm.s32 $0x108;
	_ =	swait.ge @!p0 [sflag:s8], $0x0  }
0x24: {  	s3 =	sadd.s32 $0x88, s3;
	s6 =	simm.s32 @!p1 $0x1082;
	[sflag:s4] =	ssyncset.s32 $0xFFFFF086  }
0x25: {  	[simem:s6], [sflag:s4] =	dma.local [hbm:s3], $0xF7A  }
0x26: {  	[smem:$0x3F96] =	sst s1;
	(tag) =	ssettag s2;
	_ =	strace s9  }
0x27: {  	s1 =	sld [smem:$0x3FA6]  }
0x28: {  	s2 =	sld [smem:$0x3FA7]  }
0x29: {  	s4 =	sld [smem:$0x3FA9]  }
0x2a: {  	p0 =	seq.s32 s5, $0x0;
	s5 =	sld [smem:$0x3FAA]  }
0x2b: {  	s6 =	sld [smem:$0x3FAB]  }
0x2c: {  	s7 =	sld [smem:$0x3FAC]  }
0x2d: {  	s3 =	simm.s32 $0x108;
	s8 =	sld [smem:$0x3FAD]  }
0x2e: {  	s3 =	simm.s32 @!p0 $0x1082;
	s9 =	sld [smem:$0x3FAE]  }
0x2f: {  	lr =	sadd.s32 s0, s3;
	s0 =	sld [smem:$0x3FA5]  }
0x30: {  	s3 =	sld [smem:$0x3FA8]  }
0x31: {  	[smem:$0x3FB1] =	sst s10  }
0x32: {  	s10 =	sld [smem:$0x3FAF];
	_ =	sdelay $0x3  }
0x33: {  	p0 =	seq.s32 s10, $0x1;
	s10 =	sld [smem:$0x3FB1];
	_ =	sdelay $0x3  }
0x34: {  	[smem:$0x3FB1] =	sst s10  }
0x35: {  	s10 =	sld [smem:$0x3FB0];
	_ =	sdelay $0x3  }
0x36: {  	p1 =	seq.s32 s10, $0x1;
	s10 =	sld [smem:$0x3FB1];
	_ =	sdelay $0x3  }
0x37: {  	[smem:$0x3FB1] =	sst s10  }
0x38: {  	s10 =	sld [smem:$0x3FB2]  }
0x39: {  	_ = 	snop;
	(pc) =	sbr.ind lr, $3  }
0x3a: {  	_ = 	snop  }
0x3b: {  	_ = 	snop  }
0x3c: {  	p2 =	seq.s32 s10, $0x1;
	s10 =	sld [smem:$0x3FB1]  }
0x3d: {  	_ =	shalt  }
0x3e: {  	_ =	shalt  }
0x3f: {  	_ =	shalt  }
0x40: {  	_ =	shalt  }
0x41: {  	_ =	shalt  }
0x42: {  	_ =	shalt  }
0x43: {  	_ =	shalt  }
0x44: {  	_ =	shalt  }
0x45: {  	_ =	shalt  }
0x46: {  	_ =	shalt  }
0x47: {  	_ =	shalt  }
0x48: {  	_ =	shalt  }
0x49: {  	_ =	shalt  }
0x4a: {  	_ =	shalt  }
0x4b: {  	_ =	shalt  }
0x4c: {  	_ =	shalt  }
0x4d: {  	_ =	shalt  }
0x4e: {  	_ =	shalt  }
0x4f: {  	_ =	shalt  }
0x50: {  	_ =	shalt  }
0x51: {  	_ =	shalt  }
0x52: {  	_ =	shalt  }
0x53: {  	_ =	shalt  }
0x54: {  	_ =	shalt  }
0x55: {  	_ =	shalt  }
0x56: {  	_ =	shalt  }
0x57: {  	_ =	shalt  }
0x58: {  	_ =	shalt  }
0x59: {  	_ =	shalt  }
0x5a: {  	_ =	shalt  }
0x5b: {  	_ =	shalt  }
0x5c: {  	_ =	shalt  }
0x5d: {  	_ =	shalt  }
0x5e: {  	_ =	shalt  }
0x5f: {  	_ =	shalt  }
0x60: {  	_ =	shalt  }
0x61: {  	_ =	shalt  }
0x62: {  	_ =	shalt  }
0x63: {  	_ =	shalt  }
0x64: {  	_ =	shalt  }
0x65: {  	_ =	shalt  }
0x66: {  	_ =	shalt  }
0x67: {  	_ =	shalt  }
0x68: {  	_ =	shalt  }
0x69: {  	_ =	shalt  }
0x6a: {  	_ =	shalt  }
0x6b: {  	_ =	shalt  }
0x6c: {  	_ =	shalt  }
0x6d: {  	_ =	shalt  }
0x6e: {  	_ =	shalt  }
0x6f: {  	_ =	shalt  }
0x70: {  	_ =	shalt  }
0x71: {  	_ =	shalt  }
0x72: {  	_ =	shalt  }
0x73: {  	_ =	shalt  }
0x74: {  	_ =	shalt  }
0x75: {  	_ =	shalt  }
0x76: {  	_ =	shalt  }
0x77: {  	_ =	shalt  }
0x78: {  	_ =	shalt  }
0x79: {  	_ =	shalt  }
0x7a: {  	_ =	shalt  }
0x7b: {  	_ =	shalt  }
0x7c: {  	_ =	shalt  }
0x7d: {  	_ =	shalt  }
0x7e: {  	_ =	shalt  }
0x7f: {  	_ =	shalt  }
0x80: {  	_ =	shalt  }
0x81: {  	_ =	shalt  }
0x82: {  	_ =	shalt  }
0x83: {  	_ =	shalt  }
0x84: {  	_ =	shalt  }
0x85: {  	_ =	shalt  }
0x86: {  	_ =	shalt  }
0x87: {  	_ =	shalt  }
.Lfunc_end0:
.L_simem_size_0:
called_computation_lowered:
.L_overlay_start_0:
0x88: {  	s2 =	sld [smem:$0x3FD9]  }
0x89: {  	s3 =	sld [smem:$0x3FFE];
	_ =	sdelay $0x1  }
0x8a: {  	s1 =	srdreg.scid  }
0x8b: {  	s0 =	sand.u32 $0x1, s1  }
0x8c: {  	s16 =	sshll.u32 s0, $0xA;
	s2 =	sadd.s32 s3, s2  }
0x8d: {  	s2 =	sadd.s32 s2, s16  }
0x8e: {  	[smem:$0x3FBD] =	sst s2  }
0x8f: {  	_ = 	snop  }
0x90: {  	(tm) =	ssettm $0x1  }
0x91: {  	s17 =	sld [smem:$0x3FFB];
	_ =	sdelay $0x3  }
0x92: {  	_ =	strace s17  }
0x93: {  	s2 =	sld [smem:$0x3FFC];
	_ =	sdelay $0x3  }
0x94: {  	_ =	strace s2  }
0x95: {  	s2 =	sld [smem:$0x3FFD];
	_ =	sdelay $0x3  }
0x96: {  	_ =	strace s2  }
0x97: {  	_ =	strace $0x8FFFFFFF  }
0x98: {  	s18 =	sld [smem:$0x3FDB];
	_ =	sdelay $0x1  }
0x99: {  	s19 =	simm.s32 $_scs_section_size  }
0x9a: {  	s4 =	simm.s32 $_size__tile_overlayer_lowered;
	s5 =	simm.s32 $_tile_overlayer_lowered  }
0x9b: {  	s22 =	simm.s32 $0x1BFF;
	s21 =	sshll.u32 s5, $0x1;
	s2 =	sadd.s32 s19, s18  }
0x9c: {  	s6 =	simm.s32 $0x0;
	s20 =	sshll.u32 s4, $0x1;
	s4 =	sadd.s32 s21, s2  }
0x9d: {  	[timem:s6], [sflag:s22] =	dma.local [hbm:s4], s20  }
0x9e: {  	_ =	swait.ge [sflag:s22], s20  }
0x9f: {  	s3 =	ssub.s32 $0x0, s20;
	[sflag:s22] =	ssyncset.done $0x0  }
0xa0: {  	[sflag:s22] =	ssyncadd.s32 s3;
	_ =	sdelay $0x1  }
0xa1: {  	s23 =	simm.s32 $0x1B8B  }
0xa2: {  	_ =	swait.ge [sflag:s23], $0x1  }
0xa3: {  	[sflag:s23] =	ssyncset.done $0x0  }
0xa4: {  	s25 =	simm.s32 $0x1B8E;
	s24 =	sld [smem:$0x3FFE];
	[sflag:s23] =	ssyncadd.s32 $0xFFFFFFFF  }
0xa5: {  	s26 =	simm.s32 $execute0_lowered;
	[smem:$0x3FD2] =	sst s25  }
0xa6: {  	s4 =	sshll.u32 s26, $0x1;
	_ =	strace $0x80000046;
	[dreg:$0x1] =	wrdreg $0xFFFFFFFF  }
0xa7: {  	s28 =	simm.s32 $_size_execute0_lowered;
	s2 =	sadd.s32 s2, s4;
	[dreg:$0x0] =	wrdreg $0x0  }
0xa8: {  	s4 =	sshll.u32 s28, $0x1;
	[dreg:$0x2] =	wrdreg s2  }
0xa9: {  	[dreg:$0x3] =	wrdreg s4  }
0xaa: {  	[dreg:$0x4] =	wrdreg $0xC0  }
0xab: {  	_ =	task [dreg:s6], $0x5FFFF  }
0xac: {  	[dreg:$0x1] =	wrdreg $0xFFFFFFFF  }
0xad: {  	[dreg:$0x0] =	wrdreg $0x60  }
0xae: {  	[dreg:$0x2] =	wrdreg s24  }
0xaf: {  	[dreg:$0x3] =	wrdreg $0x0  }
0xb0: {  	[dreg:$0x4] =	wrdreg $0xA0000  }
0xb1: {  	[dreg:$0x5] =	wrdreg $0x9  }
0xb2: {  	_ =	task.clear_ibuf [dreg:s6], $0x6FFFF;
	_ =	strace $0x90000046  }
0xb3: {  	s29 =	simm.s32 $0x9;
	_ =	strace $0x80000048  }
0xb4: {  	_ =	swait.ge [sflag:s29], $0x1  }
0xb5: {  	[sflag:s29] =	ssyncadd.s32 $0xFFFFFFFF  }
0xb6: {  	_ =	strace $0x90000048  }
0xb7: {  	_ =	sfence  }
0xb8: {  	s30 =	sld [smem:$0x0];
	_ =	sdelay $0x2  }
0xb9: {  	s31 =	sshll.u32 s1, $0xD;
	s1 =	sshrl.u32 s1, $0x2  }
0xba: {  	s3 =	sand.u32 $0x4000, s31;
	s1 =	sadd.s32 s1, s30  }
0xbb: {  	s0 =	sor.u32 s3, s0;
	s1 =	sshll.u32 s1, $0x11  }
0xbc: {  	s0 =	sor.u32 s1, s0  }
0xbd: {  	s0 =	sadd.s32 $0x8F2B, s0  }
0xbe: {  	[sflag:s0] =	ssyncadd.remote.s32 $0x1  }
0xbf: {  	_ =	sfence.sel $0xFFFF  }
0xc0: {  	[dreg:$0x0] =	wrdreg $0xFFFFFFFF;
	(pc) =	sbr.abs _section_cstart, $3  }
0xc1: {  	[dreg:$0x1] =	wrdreg $0xFFFFFFFF  }
0xc2: {  	_ =	task.clear_ibuf [dreg:s6], $0x2FFFF;
	_ =	strace $0x9FFFFFFF  }
0xc3: {  	(tm) =	ssettm $0x7FFFFFFF  }
tec
execute0_lowered:
.L_overlay_start_1:
0x0: {  	(tag) =	ssettag $0x1  }
0x1: {  	s0 =	rddreg [dreg:$0x0];
	s1 =	srdreg.scid  }
0x2: {  	s8 =	stileid.u32;
	s2 =	rddreg [dreg:$0x1]  }
0x3: {  	s3 =	rddreg [dreg:$0x2];
	s4 =	simm.s32 $0x0;
	s18 =	simm.s32 $0xDCA0  }
0x4: {  	s19 =	simm.s32 $0x2;
	s20 =	simm.s32 $0x17CA0;
	s22 =	simm.s32 $0xC800  }
0x5: {  	s23 =	simm.s32 $0x3;
	s24 =	simm.s32 $0xC850;
	s5 =	smul.u32 $0x4E20, s8  }
0x6: {  	s28 =	simm.s32 $0x1;
	s29 =	simm.s32 $0x0;
	s7 =	smul.u32 $0x9C4, s8  }
0x7: {  	s1 =	sand.u32 $0x1, s1;
	s9 =	sadd.s32 $0x131C00, s0;
	s25 =	sadd.s32 $0x131600, s0  }
0x8: {  	[smem:$0x7FF] =	sst s4;
	s10 =	smul.u32 $0x2800, s8;
	s26 =	sadd.s32 $0x131400, s0  }
0x9: {  	s11 =	smul.u32 $0xA000, s8;
	_ =	strace $0x80000047;
	[dreg:$0x4] =	wrdreg s9  }
0xa: {  	s15 =	sadd.s32 $0x133000, s0;
	p1 =	seq.s32 s8, $0xF;
	[dreg:$0x5] =	wrdreg s25  }
0xb: {  	s6 =	smul.u32 $0x4E200, s1;
	[dreg:$0x6] =	wrdreg s26;
	s30 =	ssub.s32 $0x2, s1  }
0xc: {  	s14 =	smul.u32 $0x9C400, s1;
	p0 =	sne.s32 s1, $0x0;
	p2 =	sne.s32 @p1 s1, $0x0  }
0xd: {  	p3 =	sne.s32 @!p1 s1, $0x0;
	s25 =	simm.s32 $0x50;
	s26 =	simm.s32 $0xC8A0  }
0xe: {  	s16 =	sadd.s32 s7, s0;
	s12 =	sshrl.u32 s10, $0x3;
	s13 =	sshrl.u32 s30, $0x1  }
0xf: {  	s9 =	sadd.s32 s11, s2;
	s10 =	sadd.s32 s10, s3;
	p2 =	por p2, !p1  }
0x10: {  	p3 =	por p3, p1;
	s5 =	sadd.s32 s5, s6;
	s12 =	sadd.s32 s12, s0  }
0x11: {  	s17 =	ssub.s32 s30, s13;
	s11 =	sadd.s32 s11, s14;
	s31 =	sshrl.u32 s14, $0x3  }
0x12: {  	s14 =	sadd.s32 $0x15ED00, s0;
	s16 =	sadd.s32 $0x2400, s16;
	s6 =	sshrl.u32 s5, $0x3  }
0x13: {  	s5 =	sadd.s32 $0x10A200, s0;
	s11 =	sshrl.u32 s11, $0x3;
	s13 =	sadd.s32 s15, s31  }
0x14: {  	s12 =	sadd.s32 $0x15A200, s12;
	s6 =	sadd.s32 s6, s0;
	s11 =	sadd.s32 s15, s11  }
0x15: {  	s13 =	sadd.s32 $0x12C00, s13;
	s15 =	smax.u32 s17, $0x1;
	s17 =	sadd.s32 $0xF6800, s6  }
.LBB2_1:
0x16: {  	s0 =	rddreg [dreg:$0x4]  }
0x17: {  	[tilespmem:s18], [sflag:$0x2] =	stream.linear.gather [hbm4b:s0+s4], $0xA000, $0x38;
	[tilespmem:$0x1A9A0] =	vst v63  }
0x18: {  	_ =	swait.ge [sflag:s19], $0xA000  }
0x19: {  	[sflag:s19] =	ssyncset.done $0x0  }
0x1a: {  	[sflag:s19] =	ssyncadd.s32 $0xFFFF6000  }
0x1b: {  	[spmem:s9] =	stream.linear.scatter [tilespmem:s18], [sflag:$0x2], $0xA000, $0x38;
	[tilespmem:$0x1A9A0] =	vst v63  }
0x1c: {  	_ =	swait.ge [sflag:s19], $0xA000  }
0x1d: {  	[sflag:s19] =	ssyncset.done $0x0  }
0x1e: {  	s6 =	rddreg [dreg:$0x5];
	[sflag:s19] =	ssyncadd.s32 $0xFFFF6000  }
0x1f: {  	[tilespmem:s20], [sflag:$0x2] =	stream.linear.gather [hbm4b:s6+s4], $0x2800, $0x38;
	[tilespmem:$0x1A9A0] =	vst v63  }
0x20: {  	_ =	swait.ge [sflag:s19], $0x2800  }
0x21: {  	[sflag:s19] =	ssyncset.done $0x0  }
0x22: {  	[sflag:s19] =	ssyncadd.s32 $0xFFFFD800  }
0x23: {  	[spmem:s10] =	stream.linear.scatter [tilespmem:s20], [sflag:$0x2], $0x2800, $0x38;
	[tilespmem:$0x1A9A0] =	vst v63  }
0x24: {  	_ =	swait.ge [sflag:s19], $0x2800  }
0x25: {  	[sflag:s19] =	ssyncset.done $0x0  }
0x26: {  	s1 =	simm.s32 $0x1A4A0;
	s7 =	rddreg [dreg:$0x6];
	[sflag:s19] =	ssyncadd.s32 $0xFFFFD800  }
0x27: {  	[tilespmem:s1], [sflag:$0x2] =	stream.linear.gather [hbm4b:s7+s4], $0x500, $0x38;
	[tilespmem:$0x1A9A0] =	vst v63  }
0x28: {  	_ =	swait.ge [sflag:s19], $0x500  }
0x29: {  	[sflag:s19] =	ssyncset.done $0x0  }
0x2a: {  	[sflag:s19] =	ssyncadd.s32 $0xFFFFFB00  }
0x2b: {  	s8 =	sadd.s32 $0x0, s17;
	[bflag:$0x0] =	sbarrier.arrive $0xFFFF  }
0x2c: {  	[tilespmem:s22], [sflag:$0x3] =	stream.linear.gather [hbm4b:s8+s4], $0x50, $0x38;
	[tilespmem:$0x1A9A0] =	vst v63  }
0x2d: {  	_ =	swait.ge [sflag:s23], $0x50  }
0x2e: {  	[sflag:s23] =	ssyncset.done $0x0  }
0x2f: {  	s21 =	sadd.s32 $0x0, s16;
	[sflag:s23] =	ssyncadd.s32 $0xFFFFFFB0  }
0x30: {  	[tilespmem:s24], [sflag:$0x3] =	stream.linear.gather [hbm4b:s21+s4], $0x50, $0x38;
	[tilespmem:$0x1A9A0] =	vst v63  }
0x31: {  	_ =	swait.ge [sflag:s23], $0x50  }
0x32: {  	[sflag:s23] =	ssyncset.done $0x0  }
0x33: {  	[sflag:s23] =	ssyncadd.s32 $0xFFFFFFB0  }
0x34: {  	[tilespmem:s26], [sflag:$0x1] =	stream.indirect.gather [hbm4b:s5+s25], $0x40, s22, s25, $0xb8;
	[tilespmem:$0x1A9A0] =	vst v63  }
0x35: {  	_ =	swait.ge [sflag:s28], $0x1400  }
0x36: {  	[sflag:s28] =	ssyncset.done $0x0  }
0x37: {  	[sflag:s28] =	ssyncadd.s32 $0xFFFFEC00  }
0x38: {  	[spmem:s2] =	stream.indirect.scatter.add.f32 [tilespmem:s26], [sflag:$0x3], $0x40, s24, s25, $0xb8;
	[tilespmem:$0x1A9A0] =	vst v63  }
0x39: {  	_ =	swait.ge [sflag:s23], $0x1400  }
0x3a: {  	s30 =	simm.s32 @!p0 $0x2;
	s0 =	simm.s32 @!p0 $0x50;
	[sflag:s23] =	ssyncset.done $0x0  }
0x3b: {  	s1 =	simm.s32 @!p0 $0x1A4A0;
	s21 =	simm.s32 @!p0 $0xC850;
	[sflag:s23] =	ssyncadd.s32 $0xFFFFEC00  }
0x3c: {  	[spmem:s3] =	stream.indirect.scatter.add.f32 @!p0 [tilespmem:s1], [sflag:$0x2], $0x10, s21, s0, $0xb8;
	[tilespmem:$0x1A9A0] =	vst v63  }
0x3d: {  	_ =	swait.ge @!p0 [sflag:s30], $0x500  }
0x3e: {  	s31 =	simm.s32 $0xA;
	s6 =	simm.s32 $0x14;
	[sflag:s30] =	ssyncset.done @!p0 $0x0  }
.LBB2_2:
0x3f: {  	s7 =	sadd.s32 s31, s17  }
0x40: {  	[sflag:s30] =	ssyncadd.s32 @!p0 $0xFFFFFB00;
	s8 =	smov.u32 s6;
	s6 =	sadd.s32 $0xA, s6  }
0x41: {  	[tilespmem:s22], [sflag:$0x3] =	stream.linear.gather [hbm4b:s7+s4], $0x50, $0x38;
	[tilespmem:$0x1A9A0] =	vst v63  }
0x42: {  	p4 =	sne.s32 s6, $0x9C4;
	_ =	swait.ge [sflag:s23], $0x50  }
0x43: {  	[sflag:s23] =	ssyncset.done $0x0  }
0x44: {  	s7 =	sadd.s32 s31, s16;
	s31 =	smov.u32 s8;
	[sflag:s23] =	ssyncadd.s32 $0xFFFFFFB0  }
0x45: {  	[tilespmem:s24], [sflag:$0x3] =	stream.linear.gather [hbm4b:s7+s4], $0x50, $0x38;
	[tilespmem:$0x1A9A0] =	vst v63  }
0x46: {  	_ =	swait.ge [sflag:s23], $0x50  }
0x47: {  	[sflag:s23] =	ssyncset.done $0x0  }
0x48: {  	[sflag:s23] =	ssyncadd.s32 $0xFFFFFFB0  }
0x49: {  	[tilespmem:s26], [sflag:$0x1] =	stream.indirect.gather [hbm4b:s5+s25], $0x40, s22, s25, $0xb8;
	[tilespmem:$0x1A9A0] =	vst v63  }
0x4a: {  	_ =	swait.ge [sflag:s28], $0x1400  }
0x4b: {  	[sflag:s28] =	ssyncset.done $0x0  }
0x4c: {  	[sflag:s28] =	ssyncadd.s32 $0xFFFFEC00  }
0x4d: {  	[spmem:s2] =	stream.indirect.scatter.add.f32 [tilespmem:s26], [sflag:$0x3], $0x40, s24, s25, $0xb8;
	[tilespmem:$0x1A9A0] =	vst v63  }
0x4e: {  	_ =	swait.ge [sflag:s23], $0x1400  }
.Ltmp0:
0x4f: {  	[sflag:s23] =	ssyncset.done $0x0;
	(pc) =	sbr.rel @p4 .LBB2_2-.Ltmp0, $4  }
0x50: {  	[sflag:s23] =	ssyncadd.s32 $0xFFFFEC00  }
0x51: {  	[spmem:s3] =	stream.indirect.scatter.add.f32 @!p0 [tilespmem:s1], [sflag:$0x2], $0x10, s21, s0, $0xb8;
	[tilespmem:$0x1A9A0] =	vst v63  }
0x52: {  	_ =	swait.ge @!p0 [sflag:s30], $0x500  }
0x53: {  	[sflag:s30] =	ssyncset.done @!p0 $0x0  }
0x54: {  	s0 =	sadd.s32 s31, s17;
	[sflag:s30] =	ssyncadd.s32 @!p0 $0xFFFFFB00  }
0x55: {  	[tilespmem:s22], [sflag:$0x3] =	stream.linear.gather [hbm4b:s0+s4], $0x50, $0x38;
	[tilespmem:$0x1A9A0] =	vst v63  }
0x56: {  	_ =	swait.ge [sflag:s23], $0x50  }
0x57: {  	[sflag:s23] =	ssyncset.done $0x0  }
0x58: {  	s31 =	sadd.s32 s31, s16;
	[sflag:s23] =	ssyncadd.s32 $0xFFFFFFB0  }
0x59: {  	[tilespmem:s24], [sflag:$0x3] =	stream.linear.gather [hbm4b:s31+s4], $0x50, $0x38;
	[tilespmem:$0x1A9A0] =	vst v63  }
0x5a: {  	_ =	swait.ge [sflag:s23], $0x50  }
0x5b: {  	[sflag:s23] =	ssyncset.done $0x0  }
0x5c: {  	[sflag:s23] =	ssyncadd.s32 $0xFFFFFFB0  }
0x5d: {  	[tilespmem:s26], [sflag:$0x1] =	stream.indirect.gather [hbm4b:s5+s25], $0x40, s22, s25, $0xb8;
	[tilespmem:$0x1A9A0] =	vst v63  }
0x5e: {  	_ =	swait.ge [sflag:s28], $0x1400  }
0x5f: {  	[sflag:s28] =	ssyncset.done $0x0  }
0x60: {  	[sflag:s28] =	ssyncadd.s32 $0xFFFFEC00  }
0x61: {  	[spmem:s2] =	stream.indirect.scatter.add.f32 [tilespmem:s26], [sflag:$0x3], $0x40, s24, s25, $0xb8;
	[tilespmem:$0x1A9A0] =	vst v63  }
0x62: {  	_ =	swait.ge [sflag:s23], $0x1400  }
0x63: {  	s1 =	simm.s32 @!p0 $0x1A4A0;
	s6 =	simm.s32 @!p0 $0x50;
	[sflag:s23] =	ssyncset.done $0x0  }
0x64: {  	s7 =	simm.s32 @!p0 $0xC850;
	s0 =	simm.s32 @!p0 $0x2;
	[sflag:s23] =	ssyncadd.s32 $0xFFFFEC00  }
0x65: {  	[spmem:s3] =	stream.indirect.scatter.add.f32 @!p0 [tilespmem:s1], [sflag:$0x2], $0x10, s7, s6, $0xb8;
	[tilespmem:$0x1A9A0] =	vst v63  }
0x66: {  	_ =	swait.ge @!p0 [sflag:s0], $0x500  }
0x67: {  	[sflag:s0] =	ssyncset.done @!p0 $0x0  }
0x68: {  	[sflag:s0] =	ssyncadd.s32 @!p0 $0xFFFFFB00  }
0x69: {  	s1 =	simm.s32 @p1 $0x2;
	s0 =	simm.s32 @p1 $0xDCA0;
	[bflag:$0x0] =	sbarrier.arrive $0xFFFF  }
0x6a: {  	[tilespmem:s0], [sflag:$0x2] =	stream.linear.gather @p1 [spmem:s9], $0x6400, $0x38;
	[tilespmem:$0x1A9A0] =	vst v63  }
0x6b: {  	_ =	swait.ge @p1 [sflag:s1], $0x6400  }
0x6c: {  	[sflag:s1] =	ssyncset.done @p1 $0x0  }
0x6d: {  	s6 =	simm.s32 @p1 $0x0;
	[sflag:s1] =	ssyncadd.s32 @p1 $0xFFFF9C00  }
0x6e: {  	[hbm4b:s13+s6] =	stream.linear.scatter @p1 [tilespmem:s0], [sflag:$0x2], $0x6400, $0x38;
	[tilespmem:$0x1A9A0] =	vst v63  }
0x6f: {  	_ =	swait.ge @p1 [sflag:s1], $0x6400  }
0x70: {  	[sflag:s1] =	ssyncset.done @p1 $0x0  }
0x71: {  	s0 =	simm.s32 @!p2 $0x17CA0;
	[sflag:s1] =	ssyncadd.s32 @p1 $0xFFFF9C00;
	s1 =	simm.s32 @!p2 $0x2  }
0x72: {  	[tilespmem:s0], [sflag:$0x2] =	stream.linear.gather @!p2 [spmem:s10], $0x1900, $0x38;
	[tilespmem:$0x1A9A0] =	vst v63  }
0x73: {  	_ =	swait.ge @!p2 [sflag:s1], $0x1900  }
0x74: {  	[sflag:s1] =	ssyncset.done @!p2 $0x0  }
0x75: {  	s6 =	simm.s32 @!p2 $0x0;
	[sflag:s1] =	ssyncadd.s32 @!p2 $0xFFFFE700  }
0x76: {  	[hbm4b:s14+s6] =	stream.linear.scatter @!p2 [tilespmem:s0], [sflag:$0x2], $0x1900, $0x38;
	[tilespmem:$0x1A9A0] =	vst v63  }
0x77: {  	_ =	swait.ge @!p2 [sflag:s1], $0x1900  }
0x78: {  	[sflag:s1] =	ssyncset.done @!p2 $0x0  }
0x79: {  	s0 =	simm.s32 @!p1 $0xDCA0;
	[sflag:s1] =	ssyncadd.s32 @!p2 $0xFFFFE700;
	s1 =	simm.s32 @!p1 $0x2  }
0x7a: {  	[tilespmem:s0], [sflag:$0x2] =	stream.linear.gather @!p1 [spmem:s9], $0xA000, $0x38;
	[tilespmem:$0x1A9A0] =	vst v63  }
0x7b: {  	_ =	swait.ge @!p1 [sflag:s1], $0xA000  }
0x7c: {  	[sflag:s1] =	ssyncset.done @!p1 $0x0  }
0x7d: {  	s6 =	simm.s32 @!p1 $0x0;
	[sflag:s1] =	ssyncadd.s32 @!p1 $0xFFFF6000  }
0x7e: {  	[hbm4b:s11+s6] =	stream.linear.scatter @!p1 [tilespmem:s0], [sflag:$0x2], $0xA000, $0x38;
	[tilespmem:$0x1A9A0] =	vst v63  }
0x7f: {  	_ =	swait.ge @!p1 [sflag:s1], $0xA000  }
0x80: {  	[sflag:s1] =	ssyncset.done @!p1 $0x0  }
0x81: {  	s0 =	simm.s32 @!p3 $0x17CA0;
	[sflag:s1] =	ssyncadd.s32 @!p1 $0xFFFF6000;
	s1 =	simm.s32 @!p3 $0x2  }
0x82: {  	[tilespmem:s0], [sflag:$0x2] =	stream.linear.gather @!p3 [spmem:s10], $0x2800, $0x38;
	[tilespmem:$0x1A9A0] =	vst v63  }
0x83: {  	s29 =	sadd.s32 $0x1, s29;
	_ =	swait.ge @!p3 [sflag:s1], $0x2800  }
0x84: {  	p4 =	sne.s32 s29, s15;
	[sflag:s1] =	ssyncset.done @!p3 $0x0  }
.Ltmp1:
0x85: {  	s6 =	simm.s32 @!p3 $0x0;
	[sflag:s1] =	ssyncadd.s32 @!p3 $0xFFFFD800;
	(pc) =	sbr.rel @p4 .LBB2_1-.Ltmp1, $4  }
0x86: {  	[hbm4b:s12+s6] =	stream.linear.scatter @!p3 [tilespmem:s0], [sflag:$0x2], $0x2800, $0x38;
	[tilespmem:$0x1A9A0] =	vst v63  }
0x87: {  	_ =	swait.ge @!p3 [sflag:s1], $0x2800  }
0x88: {  	[sflag:s1] =	ssyncset.done @!p3 $0x0  }
0x89: {  	[sflag:s1] =	ssyncadd.s32 @!p3 $0xFFFFD800  }
0x8a: {  	_ =	sfence.sel $0x180000  }
0x8b: {  	[bflag:$0x0] =	sbarrier.arrive $0xFFFF  }
0x8c: {  	_ =	strace $0x90000047  }
0x8d: {  	s0 =	stileid.u32;
	[bflag:$0x2] =	sbarrier.arrive $0xFFFF  }
0x8e: {  	p0 =	sne.s32 s0, $0x0;
	s0 =	rddreg [dreg:$0x3]  }
0x8f: {  	s0 =	sadd.s32 @!p0 $0x100000, s0  }
0x90: {  	[sflag:s0] =	ssyncadd.tile.s32 @!p0 $0x1;
	_ =	shalt  }
.Lfunc_end2:
_tile_overlayer_lowered:
.L_overlay_start_2:
0x91: {  	(tag) =	ssettag $0x2  }
0x92: {  	s0 =	rddreg [dreg:$0x0];
	s2 =	stileid.u32  }
0x93: {  	s1 =	rddreg [dreg:$0x1];
	p0 =	sne.s32 s2, $0x0  }
0x94: {  	s3 =	rddreg [dreg:$0x2];
	[bflag:$0x3] =	sbarrier.arrive $0xFFFF;
	s2 =	simm.s32 @!p0 $0x1C02  }
0x95: {  	[timem:s3], [sflag:s2] =	dma.local @!p0 [hbm:s0], s1  }
0x96: {  	s0 =	simm.s32 @!p0 $0x2  }
0x97: {  	_ =	swait.ge @!p0 [sflag:s0], s1  }
0x98: {  	s1 =	ssub.s32 @!p0 $0x0, s1;
	[sflag:s0] =	ssyncset.done @!p0 $0x0  }
0x99: {  	[sflag:s0] =	ssyncadd.s32 @!p0 s1  }
0x9a: {  	[bflag:$0x3] =	sbarrier.arrive $0xFFFF  }
0x9b: {  	_ =	shalt  }

</sc_bundles>
